<compile_context>
chip_gen: v7x
topology: tpu7x:2x2x1
jax: 0.10.2.dev20260603
libtpu: 0.0.44.dev20260713+nightly
codegen_flags: <defaults>
</compile_context>

<pallas_src>
import functools

import jax
import jax.numpy as jnp
from jax import lax
from jax.experimental import pallas as pl
from jax.experimental.pallas import tpu as pltpu
from jax.experimental.pallas import tpu_sc as plsc

EMB_DIM = 64
LANE = 128
CR = 5
CHUNK = CR * LANE
N_BUF = 2


def kernel(data, table):
    B = data.shape[0] * data.shape[1]
    idx2d = data.reshape(B // LANE, LANE)
    table = table.at[0].set(0.0)

    info = plsc.get_sparse_core_info()
    nw = info.num_cores * info.num_subcores
    nr_per_w = (B // LANE) // nw
    n_chunks = nr_per_w // CR

    mesh = plsc.VectorSubcoreMesh(core_axis_name="c", subcore_axis_name="s")

    @functools.partial(
        pl.kernel,
        mesh=mesh,
        out_type=jax.ShapeDtypeStruct((B, EMB_DIM), jnp.float32),
        scratch_types=[
            pltpu.VMEM((nr_per_w, LANE), jnp.int32),
            pltpu.VMEM((N_BUF, CHUNK, EMB_DIM), jnp.float32),
            pltpu.SemaphoreType.DMA((N_BUF,)),
            pltpu.SemaphoreType.DMA((N_BUF,)),
        ],
        compiler_params=pltpu.CompilerParams(use_tc_tiling_on_sc=False),
    )
    def run(idx_hbm, table_hbm, out_hbm, idx_all, rows_v, gsem, ssem):
        wid = lax.axis_index("s") * info.num_cores + lax.axis_index("c")
        row0 = wid * nr_per_w
        pltpu.sync_copy(idx_hbm.at[pl.ds(row0, nr_per_w)], idx_all)

        def fire_gathers(g, b):
            for j in range(CR):
                pltpu.async_copy(
                    table_hbm.at[idx_all.at[g * CR + j]],
                    rows_v.at[b].at[pl.ds(j * LANE, LANE)],
                    gsem.at[b],
                )

        def wait_gathers(b):
            for _ in range(CR):
                pltpu.make_async_copy(
                    table_hbm.at[idx_all.at[0]],
                    rows_v.at[b].at[pl.ds(0, LANE)],
                    gsem.at[b],
                ).wait()

        def start_store(g, b):
            r = (row0 + g * CR) * LANE
            pltpu.async_copy(rows_v.at[b], out_hbm.at[pl.ds(r, CHUNK)], ssem.at[b])

        def wait_store(b):
            pltpu.make_async_copy(
                rows_v.at[b], out_hbm.at[pl.ds(0, CHUNK)], ssem.at[b]
            ).wait()

        for b in range(N_BUF):
            fire_gathers(b, b)

        def body(i, carry):
            for b in range(N_BUF):
                g = i * N_BUF + b
                wait_gathers(b)
                start_store(g, b)
                nxt = g + N_BUF

                @pl.when(nxt < n_chunks)
                def _():
                    wait_store(b)
                    fire_gathers(nxt, b)

            return carry

        lax.fori_loop(0, n_chunks // N_BUF, body, 0)
        for b in range(N_BUF):
            wait_store(b)

    out = run(idx2d, table)
    return out.reshape(data.shape[0], data.shape[1], EMB_DIM)

# --- scband reference (transcript-rebuilt; emitter-appended) ---
"""Pipeline reference for scband-embeder-70239895159471 (READ-ONLY COPY).

The authoritative reference and input builder live on the scoring server;
editing this copy changes nothing except your own understanding.
"""

import jax, jax.numpy as jnp
import numpy as np

NUM_EMB = 1000000
EMB_DIM = 64
PADDING_IDX = 0
BATCH = 4096
HIST = 200


def setup_inputs(seed: int = 0) -> dict:
    key = jax.random.key(seed)
    k_idx, k_tbl = jax.random.split(key)
    data = jax.random.randint(k_idx, (BATCH, HIST), 0, NUM_EMB, dtype=jnp.int32)
    table = jax.random.normal(k_tbl, (NUM_EMB, EMB_DIM), dtype=jnp.float32)
    # nn.Embedding with padding_idx zeros that row at init
    table = table.at[PADDING_IDX].set(0.0)
    return {"data": data, "table": table}


def reference(data, table):
    # Embeder.forward: embedding lookup (padding_idx row is zero),
    # dropout is identity in eval mode.
    tbl = table.at[PADDING_IDX].set(0.0)
    embedding = jnp.take(tbl, data, axis=0)
    return embedding

if __name__ == "__main__":
    import jax
    _d = setup_inputs()
    print(jax.jit(kernel)(*tuple(_d.values())))

</pallas_src>

<mosaic_0001>
#map = affine_map<(d0, d1) -> (0, 0)>
module attributes {stable_mosaic.version = 14 : i64} {
  func.func @run(%arg0: i32, %arg1: i32, %arg2: memref<6400x128xi32, #tpu.memory_space<hbm>>, %arg3: memref<1000000x64xf32, #tpu.memory_space<hbm>>, %arg4: memref<819200x64xf32, #tpu.memory_space<hbm>>, %arg5: memref<200x128xi32, #tpu.memory_space<vmem>>, %arg6: memref<2x640x64xf32, #tpu.memory_space<vmem>>, %arg7: memref<2x!tpu.dma_semaphore, #tpu.memory_space<semaphore_mem>>, %arg8: memref<2x!tpu.dma_semaphore, #tpu.memory_space<semaphore_mem>>) attributes {dimension_semantics = [#tpu.dimension_semantics<core_parallel>, #tpu.dimension_semantics<subcore_parallel>], iteration_bounds = array<i64: 2, 16>, scalar_prefetch = 0 : i64, scratch_operands = 4 : i64, tpu.core_type = #tpu.core_type<sc_vector_subcore>, window_params = [{transform_indices = #map}, {transform_indices = #map}, {transform_indices = #map}]} {
    %mul3A = arith.constant 2 : i32
    %mul3A_0 = arith.muli %arg1, %mul3A : i32
    %add3A = arith.addi %mul3A_0, %arg0 : i32
    %mul3A_1 = arith.constant 200 : i32
    %mul3A_2 = arith.muli %add3A, %mul3A_1 : i32
    "tpu.region"() ({
      %run_scoped3A = tpu.sem_alloc : memref<!tpu.dma_semaphore, #tpu.memory_space<semaphore_mem>>
      %dma_start3A_222 = arith.constant 0 : i32
      %dma_start3A_223 = tpu.memref_slice %arg2[%mul3A_2, %dma_start3A_222] : memref<6400x128xi32, #tpu.memory_space<hbm>> -> memref<200x128xi32, #tpu.memory_space<hbm>>
      %dma_start3A_224 = arith.constant 0 : i32
      %dma_start3A_225 = tpu.memref_slice %arg2[%mul3A_2, %dma_start3A_224] : memref<6400x128xi32, #tpu.memory_space<hbm>> -> memref<200x128xi32, #tpu.memory_space<hbm>>
      tpu.enqueue_dma source(%dma_start3A_225 : memref<200x128xi32, #tpu.memory_space<hbm>>) target(%arg5 : memref<200x128xi32, #tpu.memory_space<vmem>>) target_semaphore(%run_scoped3A : memref<!tpu.dma_semaphore, #tpu.memory_space<semaphore_mem>>)
      %dma_wait3A_226 = arith.constant 0 : i32
      %dma_wait3A_227 = tpu.memref_slice %arg2[%mul3A_2, %dma_wait3A_226] : memref<6400x128xi32, #tpu.memory_space<hbm>> -> memref<200x128xi32, #tpu.memory_space<hbm>>
      %dma_wait3A_228 = arith.constant 0 : i32
      %dma_wait3A_229 = tpu.memref_slice %arg2[%mul3A_2, %dma_wait3A_228] : memref<6400x128xi32, #tpu.memory_space<hbm>> -> memref<200x128xi32, #tpu.memory_space<hbm>>
      tpu.wait_dma2 semaphore(%run_scoped3A : memref<!tpu.dma_semaphore, #tpu.memory_space<semaphore_mem>>) src(%dma_wait3A_229 : memref<200x128xi32, #tpu.memory_space<hbm>>) dst(%arg5 : memref<200x128xi32, #tpu.memory_space<vmem>>)
      tpu.yield
    }) : () -> ()
    %dma_start3A = arith.constant 0 : i32
    %dma_start3A_3 = arith.constant 0 : i32
    %dma_start3A_4 = arith.constant 0 : i32
    %dma_start3A_5 = arith.constant 0 : i32
    %dma_start3A_6 = arith.constant 0 : i32
    %dma_start3A_7 = tpu.memref_slice %arg6[%dma_start3A_3, %dma_start3A_5, %dma_start3A_6] : memref<2x640x64xf32, #tpu.memory_space<vmem>> -> memref<1x640x64xf32, #tpu.memory_space<vmem>>
    %dma_start3A_8 = tpu.memref_squeeze %dma_start3A_7 : memref<1x640x64xf32, #tpu.memory_space<vmem>> -> memref<640x64xf32, #tpu.memory_space<vmem>>
    %dma_start3A_9 = arith.constant 0 : i32
    %dma_start3A_10 = arith.constant 0 : i32
    %dma_start3A_11 = tpu.memref_slice %dma_start3A_8[%dma_start3A_9, %dma_start3A_10] : memref<640x64xf32, #tpu.memory_space<vmem>> -> memref<128x64xf32, #tpu.memory_space<vmem>>
    %dma_start3A_12 = arith.constant 0 : i32
    %dma_start3A_13 = tpu.memref_slice %arg5[%dma_start3A, %dma_start3A_12] : memref<200x128xi32, #tpu.memory_space<vmem>> -> memref<1x128xi32, #tpu.memory_space<vmem>>
    %dma_start3A_14 = tpu.memref_squeeze %dma_start3A_13 : memref<1x128xi32, #tpu.memory_space<vmem>> -> memref<128xi32, #tpu.memory_space<vmem>>
    %dma_start3A_15 = arith.constant 0 : i32
    %dma_start3A_16 = arith.constant 0 : i32
    %dma_start3A_17 = tpu.memref_slice %arg3[%dma_start3A_15, %dma_start3A_16] : memref<1000000x64xf32, #tpu.memory_space<hbm>> -> memref<1000000x64xf32, #tpu.memory_space<hbm>>
    %dma_start3A_18 = tpu.memref_slice %arg7[%dma_start3A_4] : memref<2x!tpu.dma_semaphore, #tpu.memory_space<semaphore_mem>> -> memref<1x!tpu.dma_semaphore, #tpu.memory_space<semaphore_mem>>
    %dma_start3A_19 = tpu.memref_squeeze %dma_start3A_18 : memref<1x!tpu.dma_semaphore, #tpu.memory_space<semaphore_mem>> -> memref<!tpu.dma_semaphore, #tpu.memory_space<semaphore_mem>>
    tpu.enqueue_indirect_dma source(%dma_start3A_17 : memref<1000000x64xf32, #tpu.memory_space<hbm>>) target(%dma_start3A_11 : memref<128x64xf32, #tpu.memory_space<vmem>>) offsets(%dma_start3A_14 : memref<128xi32, #tpu.memory_space<vmem>>) semaphore(%dma_start3A_19 : memref<!tpu.dma_semaphore, #tpu.memory_space<semaphore_mem>>)
    %dma_start3A_20 = arith.constant 1 : i32
    %dma_start3A_21 = arith.constant 0 : i32
    %dma_start3A_22 = arith.constant 0 : i32
    %dma_start3A_23 = arith.constant 0 : i32
    %dma_start3A_24 = arith.constant 0 : i32
    %dma_start3A_25 = tpu.memref_slice %arg6[%dma_start3A_21, %dma_start3A_23, %dma_start3A_24] : memref<2x640x64xf32, #tpu.memory_space<vmem>> -> memref<1x640x64xf32, #tpu.memory_space<vmem>>
    %dma_start3A_26 = tpu.memref_squeeze %dma_start3A_25 : memref<1x640x64xf32, #tpu.memory_space<vmem>> -> memref<640x64xf32, #tpu.memory_space<vmem>>
    %dma_start3A_27 = arith.constant 128 : i32
    %dma_start3A_28 = arith.constant 0 : i32
    %dma_start3A_29 = tpu.memref_slice %dma_start3A_26[%dma_start3A_27, %dma_start3A_28] : memref<640x64xf32, #tpu.memory_space<vmem>> -> memref<128x64xf32, #tpu.memory_space<vmem>>
    %dma_start3A_30 = arith.constant 0 : i32
    %dma_start3A_31 = tpu.memref_slice %arg5[%dma_start3A_20, %dma_start3A_30] : memref<200x128xi32, #tpu.memory_space<vmem>> -> memref<1x128xi32, #tpu.memory_space<vmem>>
    %dma_start3A_32 = tpu.memref_squeeze %dma_start3A_31 : memref<1x128xi32, #tpu.memory_space<vmem>> -> memref<128xi32, #tpu.memory_space<vmem>>
    %dma_start3A_33 = arith.constant 0 : i32
    %dma_start3A_34 = arith.constant 0 : i32
    %dma_start3A_35 = tpu.memref_slice %arg3[%dma_start3A_33, %dma_start3A_34] : memref<1000000x64xf32, #tpu.memory_space<hbm>> -> memref<1000000x64xf32, #tpu.memory_space<hbm>>
    %dma_start3A_36 = tpu.memref_slice %arg7[%dma_start3A_22] : memref<2x!tpu.dma_semaphore, #tpu.memory_space<semaphore_mem>> -> memref<1x!tpu.dma_semaphore, #tpu.memory_space<semaphore_mem>>
    %dma_start3A_37 = tpu.memref_squeeze %dma_start3A_36 : memref<1x!tpu.dma_semaphore, #tpu.memory_space<semaphore_mem>> -> memref<!tpu.dma_semaphore, #tpu.memory_space<semaphore_mem>>
    tpu.enqueue_indirect_dma source(%dma_start3A_35 : memref<1000000x64xf32, #tpu.memory_space<hbm>>) target(%dma_start3A_29 : memref<128x64xf32, #tpu.memory_space<vmem>>) offsets(%dma_start3A_32 : memref<128xi32, #tpu.memory_space<vmem>>) semaphore(%dma_start3A_37 : memref<!tpu.dma_semaphore, #tpu.memory_space<semaphore_mem>>)
    %dma_start3A_38 = arith.constant 2 : i32
    %dma_start3A_39 = arith.constant 0 : i32
    %dma_start3A_40 = arith.constant 0 : i32
    %dma_start3A_41 = arith.constant 0 : i32
    %dma_start3A_42 = arith.constant 0 : i32
    %dma_start3A_43 = tpu.memref_slice %arg6[%dma_start3A_39, %dma_start3A_41, %dma_start3A_42] : memref<2x640x64xf32, #tpu.memory_space<vmem>> -> memref<1x640x64xf32, #tpu.memory_space<vmem>>
    %dma_start3A_44 = tpu.memref_squeeze %dma_start3A_43 : memref<1x640x64xf32, #tpu.memory_space<vmem>> -> memref<640x64xf32, #tpu.memory_space<vmem>>
    %dma_start3A_45 = arith.constant 256 : i32
    %dma_start3A_46 = arith.constant 0 : i32
    %dma_start3A_47 = tpu.memref_slice %dma_start3A_44[%dma_start3A_45, %dma_start3A_46] : memref<640x64xf32, #tpu.memory_space<vmem>> -> memref<128x64xf32, #tpu.memory_space<vmem>>
    %dma_start3A_48 = arith.constant 0 : i32
    %dma_start3A_49 = tpu.memref_slice %arg5[%dma_start3A_38, %dma_start3A_48] : memref<200x128xi32, #tpu.memory_space<vmem>> -> memref<1x128xi32, #tpu.memory_space<vmem>>
    %dma_start3A_50 = tpu.memref_squeeze %dma_start3A_49 : memref<1x128xi32, #tpu.memory_space<vmem>> -> memref<128xi32, #tpu.memory_space<vmem>>
    %dma_start3A_51 = arith.constant 0 : i32
    %dma_start3A_52 = arith.constant 0 : i32
    %dma_start3A_53 = tpu.memref_slice %arg3[%dma_start3A_51, %dma_start3A_52] : memref<1000000x64xf32, #tpu.memory_space<hbm>> -> memref<1000000x64xf32, #tpu.memory_space<hbm>>
    %dma_start3A_54 = tpu.memref_slice %arg7[%dma_start3A_40] : memref<2x!tpu.dma_semaphore, #tpu.memory_space<semaphore_mem>> -> memref<1x!tpu.dma_semaphore, #tpu.memory_space<semaphore_mem>>
    %dma_start3A_55 = tpu.memref_squeeze %dma_start3A_54 : memref<1x!tpu.dma_semaphore, #tpu.memory_space<semaphore_mem>> -> memref<!tpu.dma_semaphore, #tpu.memory_space<semaphore_mem>>
    tpu.enqueue_indirect_dma source(%dma_start3A_53 : memref<1000000x64xf32, #tpu.memory_space<hbm>>) target(%dma_start3A_47 : memref<128x64xf32, #tpu.memory_space<vmem>>) offsets(%dma_start3A_50 : memref<128xi32, #tpu.memory_space<vmem>>) semaphore(%dma_start3A_55 : memref<!tpu.dma_semaphore, #tpu.memory_space<semaphore_mem>>)
    %dma_start3A_56 = arith.constant 3 : i32
    %dma_start3A_57 = arith.constant 0 : i32
    %dma_start3A_58 = arith.constant 0 : i32
    %dma_start3A_59 = arith.constant 0 : i32
    %dma_start3A_60 = arith.constant 0 : i32
    %dma_start3A_61 = tpu.memref_slice %arg6[%dma_start3A_57, %dma_start3A_59, %dma_start3A_60] : memref<2x640x64xf32, #tpu.memory_space<vmem>> -> memref<1x640x64xf32, #tpu.memory_space<vmem>>
    %dma_start3A_62 = tpu.memref_squeeze %dma_start3A_61 : memref<1x640x64xf32, #tpu.memory_space<vmem>> -> memref<640x64xf32, #tpu.memory_space<vmem>>
    %dma_start3A_63 = arith.constant 384 : i32
    %dma_start3A_64 = arith.constant 0 : i32
    %dma_start3A_65 = tpu.memref_slice %dma_start3A_62[%dma_start3A_63, %dma_start3A_64] : memref<640x64xf32, #tpu.memory_space<vmem>> -> memref<128x64xf32, #tpu.memory_space<vmem>>
    %dma_start3A_66 = arith.constant 0 : i32
    %dma_start3A_67 = tpu.memref_slice %arg5[%dma_start3A_56, %dma_start3A_66] : memref<200x128xi32, #tpu.memory_space<vmem>> -> memref<1x128xi32, #tpu.memory_space<vmem>>
    %dma_start3A_68 = tpu.memref_squeeze %dma_start3A_67 : memref<1x128xi32, #tpu.memory_space<vmem>> -> memref<128xi32, #tpu.memory_space<vmem>>
    %dma_start3A_69 = arith.constant 0 : i32
    %dma_start3A_70 = arith.constant 0 : i32
    %dma_start3A_71 = tpu.memref_slice %arg3[%dma_start3A_69, %dma_start3A_70] : memref<1000000x64xf32, #tpu.memory_space<hbm>> -> memref<1000000x64xf32, #tpu.memory_space<hbm>>
    %dma_start3A_72 = tpu.memref_slice %arg7[%dma_start3A_58] : memref<2x!tpu.dma_semaphore, #tpu.memory_space<semaphore_mem>> -> memref<1x!tpu.dma_semaphore, #tpu.memory_space<semaphore_mem>>
    %dma_start3A_73 = tpu.memref_squeeze %dma_start3A_72 : memref<1x!tpu.dma_semaphore, #tpu.memory_space<semaphore_mem>> -> memref<!tpu.dma_semaphore, #tpu.memory_space<semaphore_mem>>
    tpu.enqueue_indirect_dma source(%dma_start3A_71 : memref<1000000x64xf32, #tpu.memory_space<hbm>>) target(%dma_start3A_65 : memref<128x64xf32, #tpu.memory_space<vmem>>) offsets(%dma_start3A_68 : memref<128xi32, #tpu.memory_space<vmem>>) semaphore(%dma_start3A_73 : memref<!tpu.dma_semaphore, #tpu.memory_space<semaphore_mem>>)
    %dma_start3A_74 = arith.constant 4 : i32
    %dma_start3A_75 = arith.constant 0 : i32
    %dma_start3A_76 = arith.constant 0 : i32
    %dma_start3A_77 = arith.constant 0 : i32
    %dma_start3A_78 = arith.constant 0 : i32
    %dma_start3A_79 = tpu.memref_slice %arg6[%dma_start3A_75, %dma_start3A_77, %dma_start3A_78] : memref<2x640x64xf32, #tpu.memory_space<vmem>> -> memref<1x640x64xf32, #tpu.memory_space<vmem>>
    %dma_start3A_80 = tpu.memref_squeeze %dma_start3A_79 : memref<1x640x64xf32, #tpu.memory_space<vmem>> -> memref<640x64xf32, #tpu.memory_space<vmem>>
    %dma_start3A_81 = arith.constant 512 : i32
    %dma_start3A_82 = arith.constant 0 : i32
    %dma_start3A_83 = tpu.memref_slice %dma_start3A_80[%dma_start3A_81, %dma_start3A_82] : memref<640x64xf32, #tpu.memory_space<vmem>> -> memref<128x64xf32, #tpu.memory_space<vmem>>
    %dma_start3A_84 = arith.constant 0 : i32
    %dma_start3A_85 = tpu.memref_slice %arg5[%dma_start3A_74, %dma_start3A_84] : memref<200x128xi32, #tpu.memory_space<vmem>> -> memref<1x128xi32, #tpu.memory_space<vmem>>
    %dma_start3A_86 = tpu.memref_squeeze %dma_start3A_85 : memref<1x128xi32, #tpu.memory_space<vmem>> -> memref<128xi32, #tpu.memory_space<vmem>>
    %dma_start3A_87 = arith.constant 0 : i32
    %dma_start3A_88 = arith.constant 0 : i32
    %dma_start3A_89 = tpu.memref_slice %arg3[%dma_start3A_87, %dma_start3A_88] : memref<1000000x64xf32, #tpu.memory_space<hbm>> -> memref<1000000x64xf32, #tpu.memory_space<hbm>>
    %dma_start3A_90 = tpu.memref_slice %arg7[%dma_start3A_76] : memref<2x!tpu.dma_semaphore, #tpu.memory_space<semaphore_mem>> -> memref<1x!tpu.dma_semaphore, #tpu.memory_space<semaphore_mem>>
    %dma_start3A_91 = tpu.memref_squeeze %dma_start3A_90 : memref<1x!tpu.dma_semaphore, #tpu.memory_space<semaphore_mem>> -> memref<!tpu.dma_semaphore, #tpu.memory_space<semaphore_mem>>
    tpu.enqueue_indirect_dma source(%dma_start3A_89 : memref<1000000x64xf32, #tpu.memory_space<hbm>>) target(%dma_start3A_83 : memref<128x64xf32, #tpu.memory_space<vmem>>) offsets(%dma_start3A_86 : memref<128xi32, #tpu.memory_space<vmem>>) semaphore(%dma_start3A_91 : memref<!tpu.dma_semaphore, #tpu.memory_space<semaphore_mem>>)
    %dma_start3A_92 = arith.constant 5 : i32
    %dma_start3A_93 = arith.constant 1 : i32
    %dma_start3A_94 = arith.constant 1 : i32
    %dma_start3A_95 = arith.constant 0 : i32
    %dma_start3A_96 = arith.constant 0 : i32
    %dma_start3A_97 = tpu.memref_slice %arg6[%dma_start3A_93, %dma_start3A_95, %dma_start3A_96] : memref<2x640x64xf32, #tpu.memory_space<vmem>> -> memref<1x640x64xf32, #tpu.memory_space<vmem>>
    %dma_start3A_98 = tpu.memref_squeeze %dma_start3A_97 : memref<1x640x64xf32, #tpu.memory_space<vmem>> -> memref<640x64xf32, #tpu.memory_space<vmem>>
    %dma_start3A_99 = arith.constant 0 : i32
    %dma_start3A_100 = arith.constant 0 : i32
    %dma_start3A_101 = tpu.memref_slice %dma_start3A_98[%dma_start3A_99, %dma_start3A_100] : memref<640x64xf32, #tpu.memory_space<vmem>> -> memref<128x64xf32, #tpu.memory_space<vmem>>
    %dma_start3A_102 = arith.constant 0 : i32
    %dma_start3A_103 = tpu.memref_slice %arg5[%dma_start3A_92, %dma_start3A_102] : memref<200x128xi32, #tpu.memory_space<vmem>> -> memref<1x128xi32, #tpu.memory_space<vmem>>
    %dma_start3A_104 = tpu.memref_squeeze %dma_start3A_103 : memref<1x128xi32, #tpu.memory_space<vmem>> -> memref<128xi32, #tpu.memory_space<vmem>>
    %dma_start3A_105 = arith.constant 0 : i32
    %dma_start3A_106 = arith.constant 0 : i32
    %dma_start3A_107 = tpu.memref_slice %arg3[%dma_start3A_105, %dma_start3A_106] : memref<1000000x64xf32, #tpu.memory_space<hbm>> -> memref<1000000x64xf32, #tpu.memory_space<hbm>>
    %dma_start3A_108 = tpu.memref_slice %arg7[%dma_start3A_94] : memref<2x!tpu.dma_semaphore, #tpu.memory_space<semaphore_mem>> -> memref<1x!tpu.dma_semaphore, #tpu.memory_space<semaphore_mem>>
    %dma_start3A_109 = tpu.memref_squeeze %dma_start3A_108 : memref<1x!tpu.dma_semaphore, #tpu.memory_space<semaphore_mem>> -> memref<!tpu.dma_semaphore, #tpu.memory_space<semaphore_mem>>
    tpu.enqueue_indirect_dma source(%dma_start3A_107 : memref<1000000x64xf32, #tpu.memory_space<hbm>>) target(%dma_start3A_101 : memref<128x64xf32, #tpu.memory_space<vmem>>) offsets(%dma_start3A_104 : memref<128xi32, #tpu.memory_space<vmem>>) semaphore(%dma_start3A_109 : memref<!tpu.dma_semaphore, #tpu.memory_space<semaphore_mem>>)
    %dma_start3A_110 = arith.constant 6 : i32
    %dma_start3A_111 = arith.constant 1 : i32
    %dma_start3A_112 = arith.constant 1 : i32
    %dma_start3A_113 = arith.constant 0 : i32
    %dma_start3A_114 = arith.constant 0 : i32
    %dma_start3A_115 = tpu.memref_slice %arg6[%dma_start3A_111, %dma_start3A_113, %dma_start3A_114] : memref<2x640x64xf32, #tpu.memory_space<vmem>> -> memref<1x640x64xf32, #tpu.memory_space<vmem>>
    %dma_start3A_116 = tpu.memref_squeeze %dma_start3A_115 : memref<1x640x64xf32, #tpu.memory_space<vmem>> -> memref<640x64xf32, #tpu.memory_space<vmem>>
    %dma_start3A_117 = arith.constant 128 : i32
    %dma_start3A_118 = arith.constant 0 : i32
    %dma_start3A_119 = tpu.memref_slice %dma_start3A_116[%dma_start3A_117, %dma_start3A_118] : memref<640x64xf32, #tpu.memory_space<vmem>> -> memref<128x64xf32, #tpu.memory_space<vmem>>
    %dma_start3A_120 = arith.constant 0 : i32
    %dma_start3A_121 = tpu.memref_slice %arg5[%dma_start3A_110, %dma_start3A_120] : memref<200x128xi32, #tpu.memory_space<vmem>> -> memref<1x128xi32, #tpu.memory_space<vmem>>
    %dma_start3A_122 = tpu.memref_squeeze %dma_start3A_121 : memref<1x128xi32, #tpu.memory_space<vmem>> -> memref<128xi32, #tpu.memory_space<vmem>>
    %dma_start3A_123 = arith.constant 0 : i32
    %dma_start3A_124 = arith.constant 0 : i32
    %dma_start3A_125 = tpu.memref_slice %arg3[%dma_start3A_123, %dma_start3A_124] : memref<1000000x64xf32, #tpu.memory_space<hbm>> -> memref<1000000x64xf32, #tpu.memory_space<hbm>>
    %dma_start3A_126 = tpu.memref_slice %arg7[%dma_start3A_112] : memref<2x!tpu.dma_semaphore, #tpu.memory_space<semaphore_mem>> -> memref<1x!tpu.dma_semaphore, #tpu.memory_space<semaphore_mem>>
    %dma_start3A_127 = tpu.memref_squeeze %dma_start3A_126 : memref<1x!tpu.dma_semaphore, #tpu.memory_space<semaphore_mem>> -> memref<!tpu.dma_semaphore, #tpu.memory_space<semaphore_mem>>
    tpu.enqueue_indirect_dma source(%dma_start3A_125 : memref<1000000x64xf32, #tpu.memory_space<hbm>>) target(%dma_start3A_119 : memref<128x64xf32, #tpu.memory_space<vmem>>) offsets(%dma_start3A_122 : memref<128xi32, #tpu.memory_space<vmem>>) semaphore(%dma_start3A_127 : memref<!tpu.dma_semaphore, #tpu.memory_space<semaphore_mem>>)
    %dma_start3A_128 = arith.constant 7 : i32
    %dma_start3A_129 = arith.constant 1 : i32
    %dma_start3A_130 = arith.constant 1 : i32
    %dma_start3A_131 = arith.constant 0 : i32
    %dma_start3A_132 = arith.constant 0 : i32
    %dma_start3A_133 = tpu.memref_slice %arg6[%dma_start3A_129, %dma_start3A_131, %dma_start3A_132] : memref<2x640x64xf32, #tpu.memory_space<vmem>> -> memref<1x640x64xf32, #tpu.memory_space<vmem>>
    %dma_start3A_134 = tpu.memref_squeeze %dma_start3A_133 : memref<1x640x64xf32, #tpu.memory_space<vmem>> -> memref<640x64xf32, #tpu.memory_space<vmem>>
    %dma_start3A_135 = arith.constant 256 : i32
    %dma_start3A_136 = arith.constant 0 : i32
    %dma_start3A_137 = tpu.memref_slice %dma_start3A_134[%dma_start3A_135, %dma_start3A_136] : memref<640x64xf32, #tpu.memory_space<vmem>> -> memref<128x64xf32, #tpu.memory_space<vmem>>
    %dma_start3A_138 = arith.constant 0 : i32
    %dma_start3A_139 = tpu.memref_slice %arg5[%dma_start3A_128, %dma_start3A_138] : memref<200x128xi32, #tpu.memory_space<vmem>> -> memref<1x128xi32, #tpu.memory_space<vmem>>
    %dma_start3A_140 = tpu.memref_squeeze %dma_start3A_139 : memref<1x128xi32, #tpu.memory_space<vmem>> -> memref<128xi32, #tpu.memory_space<vmem>>
    %dma_start3A_141 = arith.constant 0 : i32
    %dma_start3A_142 = arith.constant 0 : i32
    %dma_start3A_143 = tpu.memref_slice %arg3[%dma_start3A_141, %dma_start3A_142] : memref<1000000x64xf32, #tpu.memory_space<hbm>> -> memref<1000000x64xf32, #tpu.memory_space<hbm>>
    %dma_start3A_144 = tpu.memref_slice %arg7[%dma_start3A_130] : memref<2x!tpu.dma_semaphore, #tpu.memory_space<semaphore_mem>> -> memref<1x!tpu.dma_semaphore, #tpu.memory_space<semaphore_mem>>
    %dma_start3A_145 = tpu.memref_squeeze %dma_start3A_144 : memref<1x!tpu.dma_semaphore, #tpu.memory_space<semaphore_mem>> -> memref<!tpu.dma_semaphore, #tpu.memory_space<semaphore_mem>>
    tpu.enqueue_indirect_dma source(%dma_start3A_143 : memref<1000000x64xf32, #tpu.memory_space<hbm>>) target(%dma_start3A_137 : memref<128x64xf32, #tpu.memory_space<vmem>>) offsets(%dma_start3A_140 : memref<128xi32, #tpu.memory_space<vmem>>) semaphore(%dma_start3A_145 : memref<!tpu.dma_semaphore, #tpu.memory_space<semaphore_mem>>)
    %dma_start3A_146 = arith.constant 8 : i32
    %dma_start3A_147 = arith.constant 1 : i32
    %dma_start3A_148 = arith.constant 1 : i32
    %dma_start3A_149 = arith.constant 0 : i32
    %dma_start3A_150 = arith.constant 0 : i32
    %dma_start3A_151 = tpu.memref_slice %arg6[%dma_start3A_147, %dma_start3A_149, %dma_start3A_150] : memref<2x640x64xf32, #tpu.memory_space<vmem>> -> memref<1x640x64xf32, #tpu.memory_space<vmem>>
    %dma_start3A_152 = tpu.memref_squeeze %dma_start3A_151 : memref<1x640x64xf32, #tpu.memory_space<vmem>> -> memref<640x64xf32, #tpu.memory_space<vmem>>
    %dma_start3A_153 = arith.constant 384 : i32
    %dma_start3A_154 = arith.constant 0 : i32
    %dma_start3A_155 = tpu.memref_slice %dma_start3A_152[%dma_start3A_153, %dma_start3A_154] : memref<640x64xf32, #tpu.memory_space<vmem>> -> memref<128x64xf32, #tpu.memory_space<vmem>>
    %dma_start3A_156 = arith.constant 0 : i32
    %dma_start3A_157 = tpu.memref_slice %arg5[%dma_start3A_146, %dma_start3A_156] : memref<200x128xi32, #tpu.memory_space<vmem>> -> memref<1x128xi32, #tpu.memory_space<vmem>>
    %dma_start3A_158 = tpu.memref_squeeze %dma_start3A_157 : memref<1x128xi32, #tpu.memory_space<vmem>> -> memref<128xi32, #tpu.memory_space<vmem>>
    %dma_start3A_159 = arith.constant 0 : i32
    %dma_start3A_160 = arith.constant 0 : i32
    %dma_start3A_161 = tpu.memref_slice %arg3[%dma_start3A_159, %dma_start3A_160] : memref<1000000x64xf32, #tpu.memory_space<hbm>> -> memref<1000000x64xf32, #tpu.memory_space<hbm>>
    %dma_start3A_162 = tpu.memref_slice %arg7[%dma_start3A_148] : memref<2x!tpu.dma_semaphore, #tpu.memory_space<semaphore_mem>> -> memref<1x!tpu.dma_semaphore, #tpu.memory_space<semaphore_mem>>
    %dma_start3A_163 = tpu.memref_squeeze %dma_start3A_162 : memref<1x!tpu.dma_semaphore, #tpu.memory_space<semaphore_mem>> -> memref<!tpu.dma_semaphore, #tpu.memory_space<semaphore_mem>>
    tpu.enqueue_indirect_dma source(%dma_start3A_161 : memref<1000000x64xf32, #tpu.memory_space<hbm>>) target(%dma_start3A_155 : memref<128x64xf32, #tpu.memory_space<vmem>>) offsets(%dma_start3A_158 : memref<128xi32, #tpu.memory_space<vmem>>) semaphore(%dma_start3A_163 : memref<!tpu.dma_semaphore, #tpu.memory_space<semaphore_mem>>)
    %dma_start3A_164 = arith.constant 9 : i32
    %dma_start3A_165 = arith.constant 1 : i32
    %dma_start3A_166 = arith.constant 1 : i32
    %dma_start3A_167 = arith.constant 0 : i32
    %dma_start3A_168 = arith.constant 0 : i32
    %dma_start3A_169 = tpu.memref_slice %arg6[%dma_start3A_165, %dma_start3A_167, %dma_start3A_168] : memref<2x640x64xf32, #tpu.memory_space<vmem>> -> memref<1x640x64xf32, #tpu.memory_space<vmem>>
    %dma_start3A_170 = tpu.memref_squeeze %dma_start3A_169 : memref<1x640x64xf32, #tpu.memory_space<vmem>> -> memref<640x64xf32, #tpu.memory_space<vmem>>
    %dma_start3A_171 = arith.constant 512 : i32
    %dma_start3A_172 = arith.constant 0 : i32
    %dma_start3A_173 = tpu.memref_slice %dma_start3A_170[%dma_start3A_171, %dma_start3A_172] : memref<640x64xf32, #tpu.memory_space<vmem>> -> memref<128x64xf32, #tpu.memory_space<vmem>>
    %dma_start3A_174 = arith.constant 0 : i32
    %dma_start3A_175 = tpu.memref_slice %arg5[%dma_start3A_164, %dma_start3A_174] : memref<200x128xi32, #tpu.memory_space<vmem>> -> memref<1x128xi32, #tpu.memory_space<vmem>>
    %dma_start3A_176 = tpu.memref_squeeze %dma_start3A_175 : memref<1x128xi32, #tpu.memory_space<vmem>> -> memref<128xi32, #tpu.memory_space<vmem>>
    %dma_start3A_177 = arith.constant 0 : i32
    %dma_start3A_178 = arith.constant 0 : i32
    %dma_start3A_179 = tpu.memref_slice %arg3[%dma_start3A_177, %dma_start3A_178] : memref<1000000x64xf32, #tpu.memory_space<hbm>> -> memref<1000000x64xf32, #tpu.memory_space<hbm>>
    %dma_start3A_180 = tpu.memref_slice %arg7[%dma_start3A_166] : memref<2x!tpu.dma_semaphore, #tpu.memory_space<semaphore_mem>> -> memref<1x!tpu.dma_semaphore, #tpu.memory_space<semaphore_mem>>
    %dma_start3A_181 = tpu.memref_squeeze %dma_start3A_180 : memref<1x!tpu.dma_semaphore, #tpu.memory_space<semaphore_mem>> -> memref<!tpu.dma_semaphore, #tpu.memory_space<semaphore_mem>>
    tpu.enqueue_indirect_dma source(%dma_start3A_179 : memref<1000000x64xf32, #tpu.memory_space<hbm>>) target(%dma_start3A_173 : memref<128x64xf32, #tpu.memory_space<vmem>>) offsets(%dma_start3A_176 : memref<128xi32, #tpu.memory_space<vmem>>) semaphore(%dma_start3A_181 : memref<!tpu.dma_semaphore, #tpu.memory_space<semaphore_mem>>)
    %scan3A = arith.constant 0 : i32
    %scan3A_182 = arith.constant 0 : i32
    %scan3A_183 = arith.constant 20 : i32
    %scan3A_184 = arith.addi %scan3A_182, %scan3A_183 : i32
    %scan3A_185 = arith.constant 1 : i32
    scf.for %scan3A_222 = %scan3A_182 to %scan3A_184 step %scan3A_185  : i32 {
      %mul3A_223 = arith.constant 2 : i32
      %mul3A_224 = arith.muli %scan3A_222, %mul3A_223 : i32
      %add3A_225 = arith.constant 0 : i32
      %add3A_226 = arith.addi %mul3A_224, %add3A_225 : i32
      %dma_wait3A_227 = arith.constant 0 : i32
      %dma_wait3A_228 = arith.constant 0 : i32
      %dma_wait3A_229 = arith.constant 0 : i32
      %dma_wait3A_230 = arith.constant 0 : i32
      %dma_wait3A_231 = arith.constant 0 : i32
      %dma_wait3A_232 = tpu.memref_slice %arg6[%dma_wait3A_228, %dma_wait3A_230, %dma_wait3A_231] : memref<2x640x64xf32, #tpu.memory_space<vmem>> -> memref<1x640x64xf32, #tpu.memory_space<vmem>>
      %dma_wait3A_233 = tpu.memref_squeeze %dma_wait3A_232 : memref<1x640x64xf32, #tpu.memory_space<vmem>> -> memref<640x64xf32, #tpu.memory_space<vmem>>
      %dma_wait3A_234 = arith.constant 0 : i32
      %dma_wait3A_235 = arith.constant 0 : i32
      %dma_wait3A_236 = tpu.memref_slice %dma_wait3A_233[%dma_wait3A_234, %dma_wait3A_235] : memref<640x64xf32, #tpu.memory_space<vmem>> -> memref<128x64xf32, #tpu.memory_space<vmem>>
      %dma_wait3A_237 = arith.constant 0 : i32
      %dma_wait3A_238 = tpu.memref_slice %arg5[%dma_wait3A_227, %dma_wait3A_237] : memref<200x128xi32, #tpu.memory_space<vmem>> -> memref<1x128xi32, #tpu.memory_space<vmem>>
      %dma_wait3A_239 = tpu.memref_squeeze %dma_wait3A_238 : memref<1x128xi32, #tpu.memory_space<vmem>> -> memref<128xi32, #tpu.memory_space<vmem>>
      %dma_wait3A_240 = arith.constant 0 : i32
      %dma_wait3A_241 = arith.constant 0 : i32
      %dma_wait3A_242 = tpu.memref_slice %arg3[%dma_wait3A_240, %dma_wait3A_241] : memref<1000000x64xf32, #tpu.memory_space<hbm>> -> memref<1000000x64xf32, #tpu.memory_space<hbm>>
      %dma_wait3A_243 = tpu.memref_slice %arg7[%dma_wait3A_229] : memref<2x!tpu.dma_semaphore, #tpu.memory_space<semaphore_mem>> -> memref<1x!tpu.dma_semaphore, #tpu.memory_space<semaphore_mem>>
      %dma_wait3A_244 = tpu.memref_squeeze %dma_wait3A_243 : memref<1x!tpu.dma_semaphore, #tpu.memory_space<semaphore_mem>> -> memref<!tpu.dma_semaphore, #tpu.memory_space<semaphore_mem>>
      tpu.wait_indirect_dma semaphore(%dma_wait3A_244 : memref<!tpu.dma_semaphore, #tpu.memory_space<semaphore_mem>>) src(%dma_wait3A_242 : memref<1000000x64xf32, #tpu.memory_space<hbm>>) dst(%dma_wait3A_236 : memref<128x64xf32, #tpu.memory_space<vmem>>)
      %dma_wait3A_245 = arith.constant 0 : i32
      %dma_wait3A_246 = arith.constant 0 : i32
      %dma_wait3A_247 = arith.constant 0 : i32
      %dma_wait3A_248 = arith.constant 0 : i32
      %dma_wait3A_249 = arith.constant 0 : i32
      %dma_wait3A_250 = tpu.memref_slice %arg6[%dma_wait3A_246, %dma_wait3A_248, %dma_wait3A_249] : memref<2x640x64xf32, #tpu.memory_space<vmem>> -> memref<1x640x64xf32, #tpu.memory_space<vmem>>
      %dma_wait3A_251 = tpu.memref_squeeze %dma_wait3A_250 : memref<1x640x64xf32, #tpu.memory_space<vmem>> -> memref<640x64xf32, #tpu.memory_space<vmem>>
      %dma_wait3A_252 = arith.constant 0 : i32
      %dma_wait3A_253 = arith.constant 0 : i32
      %dma_wait3A_254 = tpu.memref_slice %dma_wait3A_251[%dma_wait3A_252, %dma_wait3A_253] : memref<640x64xf32, #tpu.memory_space<vmem>> -> memref<128x64xf32, #tpu.memory_space<vmem>>
      %dma_wait3A_255 = arith.constant 0 : i32
      %dma_wait3A_256 = tpu.memref_slice %arg5[%dma_wait3A_245, %dma_wait3A_255] : memref<200x128xi32, #tpu.memory_space<vmem>> -> memref<1x128xi32, #tpu.memory_space<vmem>>
      %dma_wait3A_257 = tpu.memref_squeeze %dma_wait3A_256 : memref<1x128xi32, #tpu.memory_space<vmem>> -> memref<128xi32, #tpu.memory_space<vmem>>
      %dma_wait3A_258 = arith.constant 0 : i32
      %dma_wait3A_259 = arith.constant 0 : i32
      %dma_wait3A_260 = tpu.memref_slice %arg3[%dma_wait3A_258, %dma_wait3A_259] : memref<1000000x64xf32, #tpu.memory_space<hbm>> -> memref<1000000x64xf32, #tpu.memory_space<hbm>>
      %dma_wait3A_261 = tpu.memref_slice %arg7[%dma_wait3A_247] : memref<2x!tpu.dma_semaphore, #tpu.memory_space<semaphore_mem>> -> memref<1x!tpu.dma_semaphore, #tpu.memory_space<semaphore_mem>>
      %dma_wait3A_262 = tpu.memref_squeeze %dma_wait3A_261 : memref<1x!tpu.dma_semaphore, #tpu.memory_space<semaphore_mem>> -> memref<!tpu.dma_semaphore, #tpu.memory_space<semaphore_mem>>
      tpu.wait_indirect_dma semaphore(%dma_wait3A_262 : memref<!tpu.dma_semaphore, #tpu.memory_space<semaphore_mem>>) src(%dma_wait3A_260 : memref<1000000x64xf32, #tpu.memory_space<hbm>>) dst(%dma_wait3A_254 : memref<128x64xf32, #tpu.memory_space<vmem>>)
      %dma_wait3A_263 = arith.constant 0 : i32
      %dma_wait3A_264 = arith.constant 0 : i32
      %dma_wait3A_265 = arith.constant 0 : i32
      %dma_wait3A_266 = arith.constant 0 : i32
      %dma_wait3A_267 = arith.constant 0 : i32
      %dma_wait3A_268 = tpu.memref_slice %arg6[%dma_wait3A_264, %dma_wait3A_266, %dma_wait3A_267] : memref<2x640x64xf32, #tpu.memory_space<vmem>> -> memref<1x640x64xf32, #tpu.memory_space<vmem>>
      %dma_wait3A_269 = tpu.memref_squeeze %dma_wait3A_268 : memref<1x640x64xf32, #tpu.memory_space<vmem>> -> memref<640x64xf32, #tpu.memory_space<vmem>>
      %dma_wait3A_270 = arith.constant 0 : i32
      %dma_wait3A_271 = arith.constant 0 : i32
      %dma_wait3A_272 = tpu.memref_slice %dma_wait3A_269[%dma_wait3A_270, %dma_wait3A_271] : memref<640x64xf32, #tpu.memory_space<vmem>> -> memref<128x64xf32, #tpu.memory_space<vmem>>
      %dma_wait3A_273 = arith.constant 0 : i32
      %dma_wait3A_274 = tpu.memref_slice %arg5[%dma_wait3A_263, %dma_wait3A_273] : memref<200x128xi32, #tpu.memory_space<vmem>> -> memref<1x128xi32, #tpu.memory_space<vmem>>
      %dma_wait3A_275 = tpu.memref_squeeze %dma_wait3A_274 : memref<1x128xi32, #tpu.memory_space<vmem>> -> memref<128xi32, #tpu.memory_space<vmem>>
      %dma_wait3A_276 = arith.constant 0 : i32
      %dma_wait3A_277 = arith.constant 0 : i32
      %dma_wait3A_278 = tpu.memref_slice %arg3[%dma_wait3A_276, %dma_wait3A_277] : memref<1000000x64xf32, #tpu.memory_space<hbm>> -> memref<1000000x64xf32, #tpu.memory_space<hbm>>
      %dma_wait3A_279 = tpu.memref_slice %arg7[%dma_wait3A_265] : memref<2x!tpu.dma_semaphore, #tpu.memory_space<semaphore_mem>> -> memref<1x!tpu.dma_semaphore, #tpu.memory_space<semaphore_mem>>
      %dma_wait3A_280 = tpu.memref_squeeze %dma_wait3A_279 : memref<1x!tpu.dma_semaphore, #tpu.memory_space<semaphore_mem>> -> memref<!tpu.dma_semaphore, #tpu.memory_space<semaphore_mem>>
      tpu.wait_indirect_dma semaphore(%dma_wait3A_280 : memref<!tpu.dma_semaphore, #tpu.memory_space<semaphore_mem>>) src(%dma_wait3A_278 : memref<1000000x64xf32, #tpu.memory_space<hbm>>) dst(%dma_wait3A_272 : memref<128x64xf32, #tpu.memory_space<vmem>>)
      %dma_wait3A_281 = arith.constant 0 : i32
      %dma_wait3A_282 = arith.constant 0 : i32
      %dma_wait3A_283 = arith.constant 0 : i32
      %dma_wait3A_284 = arith.constant 0 : i32
      %dma_wait3A_285 = arith.constant 0 : i32
      %dma_wait3A_286 = tpu.memref_slice %arg6[%dma_wait3A_282, %dma_wait3A_284, %dma_wait3A_285] : memref<2x640x64xf32, #tpu.memory_space<vmem>> -> memref<1x640x64xf32, #tpu.memory_space<vmem>>
      %dma_wait3A_287 = tpu.memref_squeeze %dma_wait3A_286 : memref<1x640x64xf32, #tpu.memory_space<vmem>> -> memref<640x64xf32, #tpu.memory_space<vmem>>
      %dma_wait3A_288 = arith.constant 0 : i32
      %dma_wait3A_289 = arith.constant 0 : i32
      %dma_wait3A_290 = tpu.memref_slice %dma_wait3A_287[%dma_wait3A_288, %dma_wait3A_289] : memref<640x64xf32, #tpu.memory_space<vmem>> -> memref<128x64xf32, #tpu.memory_space<vmem>>
      %dma_wait3A_291 = arith.constant 0 : i32
      %dma_wait3A_292 = tpu.memref_slice %arg5[%dma_wait3A_281, %dma_wait3A_291] : memref<200x128xi32, #tpu.memory_space<vmem>> -> memref<1x128xi32, #tpu.memory_space<vmem>>
      %dma_wait3A_293 = tpu.memref_squeeze %dma_wait3A_292 : memref<1x128xi32, #tpu.memory_space<vmem>> -> memref<128xi32, #tpu.memory_space<vmem>>
      %dma_wait3A_294 = arith.constant 0 : i32
      %dma_wait3A_295 = arith.constant 0 : i32
      %dma_wait3A_296 = tpu.memref_slice %arg3[%dma_wait3A_294, %dma_wait3A_295] : memref<1000000x64xf32, #tpu.memory_space<hbm>> -> memref<1000000x64xf32, #tpu.memory_space<hbm>>
      %dma_wait3A_297 = tpu.memref_slice %arg7[%dma_wait3A_283] : memref<2x!tpu.dma_semaphore, #tpu.memory_space<semaphore_mem>> -> memref<1x!tpu.dma_semaphore, #tpu.memory_space<semaphore_mem>>
      %dma_wait3A_298 = tpu.memref_squeeze %dma_wait3A_297 : memref<1x!tpu.dma_semaphore, #tpu.memory_space<semaphore_mem>> -> memref<!tpu.dma_semaphore, #tpu.memory_space<semaphore_mem>>
      tpu.wait_indirect_dma semaphore(%dma_wait3A_298 : memref<!tpu.dma_semaphore, #tpu.memory_space<semaphore_mem>>) src(%dma_wait3A_296 : memref<1000000x64xf32, #tpu.memory_space<hbm>>) dst(%dma_wait3A_290 : memref<128x64xf32, #tpu.memory_space<vmem>>)
      %dma_wait3A_299 = arith.constant 0 : i32
      %dma_wait3A_300 = arith.constant 0 : i32
      %dma_wait3A_301 = arith.constant 0 : i32
      %dma_wait3A_302 = arith.constant 0 : i32
      %dma_wait3A_303 = arith.constant 0 : i32
      %dma_wait3A_304 = tpu.memref_slice %arg6[%dma_wait3A_300, %dma_wait3A_302, %dma_wait3A_303] : memref<2x640x64xf32, #tpu.memory_space<vmem>> -> memref<1x640x64xf32, #tpu.memory_space<vmem>>
      %dma_wait3A_305 = tpu.memref_squeeze %dma_wait3A_304 : memref<1x640x64xf32, #tpu.memory_space<vmem>> -> memref<640x64xf32, #tpu.memory_space<vmem>>
      %dma_wait3A_306 = arith.constant 0 : i32
      %dma_wait3A_307 = arith.constant 0 : i32
      %dma_wait3A_308 = tpu.memref_slice %dma_wait3A_305[%dma_wait3A_306, %dma_wait3A_307] : memref<640x64xf32, #tpu.memory_space<vmem>> -> memref<128x64xf32, #tpu.memory_space<vmem>>
      %dma_wait3A_309 = arith.constant 0 : i32
      %dma_wait3A_310 = tpu.memref_slice %arg5[%dma_wait3A_299, %dma_wait3A_309] : memref<200x128xi32, #tpu.memory_space<vmem>> -> memref<1x128xi32, #tpu.memory_space<vmem>>
      %dma_wait3A_311 = tpu.memref_squeeze %dma_wait3A_310 : memref<1x128xi32, #tpu.memory_space<vmem>> -> memref<128xi32, #tpu.memory_space<vmem>>
      %dma_wait3A_312 = arith.constant 0 : i32
      %dma_wait3A_313 = arith.constant 0 : i32
      %dma_wait3A_314 = tpu.memref_slice %arg3[%dma_wait3A_312, %dma_wait3A_313] : memref<1000000x64xf32, #tpu.memory_space<hbm>> -> memref<1000000x64xf32, #tpu.memory_space<hbm>>
      %dma_wait3A_315 = tpu.memref_slice %arg7[%dma_wait3A_301] : memref<2x!tpu.dma_semaphore, #tpu.memory_space<semaphore_mem>> -> memref<1x!tpu.dma_semaphore, #tpu.memory_space<semaphore_mem>>
      %dma_wait3A_316 = tpu.memref_squeeze %dma_wait3A_315 : memref<1x!tpu.dma_semaphore, #tpu.memory_space<semaphore_mem>> -> memref<!tpu.dma_semaphore, #tpu.memory_space<semaphore_mem>>
      tpu.wait_indirect_dma semaphore(%dma_wait3A_316 : memref<!tpu.dma_semaphore, #tpu.memory_space<semaphore_mem>>) src(%dma_wait3A_314 : memref<1000000x64xf32, #tpu.memory_space<hbm>>) dst(%dma_wait3A_308 : memref<128x64xf32, #tpu.memory_space<vmem>>)
      %mul3A_317 = arith.constant 5 : i32
      %mul3A_318 = arith.muli %add3A_226, %mul3A_317 : i32
      %add3A_319 = arith.addi %mul3A_2, %mul3A_318 : i32
      %mul3A_320 = arith.constant 128 : i32
      %mul3A_321 = arith.muli %add3A_319, %mul3A_320 : i32
      %dma_start3A_322 = arith.constant 0 : i32
      %dma_start3A_323 = arith.constant 0 : i32
      %dma_start3A_324 = arith.constant 0 : i32
      %dma_start3A_325 = arith.constant 0 : i32
      %dma_start3A_326 = tpu.memref_slice %arg6[%dma_start3A_322, %dma_start3A_324, %dma_start3A_325] : memref<2x640x64xf32, #tpu.memory_space<vmem>> -> memref<1x640x64xf32, #tpu.memory_space<vmem>>
      %dma_start3A_327 = tpu.memref_squeeze %dma_start3A_326 : memref<1x640x64xf32, #tpu.memory_space<vmem>> -> memref<640x64xf32, #tpu.memory_space<vmem>>
      %dma_start3A_328 = arith.constant 0 : i32
      %dma_start3A_329 = tpu.memref_slice %arg4[%mul3A_321, %dma_start3A_328] : memref<819200x64xf32, #tpu.memory_space<hbm>> -> memref<640x64xf32, #tpu.memory_space<hbm>>
      %dma_start3A_330 = tpu.memref_slice %arg8[%dma_start3A_323] : memref<2x!tpu.dma_semaphore, #tpu.memory_space<semaphore_mem>> -> memref<1x!tpu.dma_semaphore, #tpu.memory_space<semaphore_mem>>
      %dma_start3A_331 = tpu.memref_squeeze %dma_start3A_330 : memref<1x!tpu.dma_semaphore, #tpu.memory_space<semaphore_mem>> -> memref<!tpu.dma_semaphore, #tpu.memory_space<semaphore_mem>>
      %dma_start3A_332 = arith.constant 0 : i32
      %dma_start3A_333 = tpu.memref_slice %arg4[%mul3A_321, %dma_start3A_332] : memref<819200x64xf32, #tpu.memory_space<hbm>> -> memref<640x64xf32, #tpu.memory_space<hbm>>
      %dma_start3A_334 = arith.constant 0 : i32
      %dma_start3A_335 = arith.constant 0 : i32
      %dma_start3A_336 = tpu.memref_slice %arg6[%dma_start3A_322, %dma_start3A_334, %dma_start3A_335] : memref<2x640x64xf32, #tpu.memory_space<vmem>> -> memref<1x640x64xf32, #tpu.memory_space<vmem>>
      %dma_start3A_337 = tpu.memref_squeeze %dma_start3A_336 : memref<1x640x64xf32, #tpu.memory_space<vmem>> -> memref<640x64xf32, #tpu.memory_space<vmem>>
      tpu.enqueue_dma source(%dma_start3A_337 : memref<640x64xf32, #tpu.memory_space<vmem>>) target(%dma_start3A_333 : memref<640x64xf32, #tpu.memory_space<hbm>>) target_semaphore(%dma_start3A_331 : memref<!tpu.dma_semaphore, #tpu.memory_space<semaphore_mem>>)
      %add3A_338 = arith.constant 2 : i32
      %add3A_339 = arith.addi %add3A_226, %add3A_338 : i32
      %lt3A = arith.constant 40 : i32
      %lt3A_340 = arith.cmpi slt, %add3A_339, %lt3A : i32
      %convert_element_type3A = arith.extui %lt3A_340 : i1 to i32
      %cond3A = arith.constant 0 : i32
      %cond3A_341 = arith.cmpi ne, %convert_element_type3A, %cond3A : i32
      scf.if %cond3A_341 {
        %dma_wait3A_464 = arith.constant 0 : i32
        %dma_wait3A_465 = arith.constant 0 : i32
        %dma_wait3A_466 = arith.constant 0 : i32
        %dma_wait3A_467 = arith.constant 0 : i32
        %dma_wait3A_468 = tpu.memref_slice %arg6[%dma_wait3A_464, %dma_wait3A_466, %dma_wait3A_467] : memref<2x640x64xf32, #tpu.memory_space<vmem>> -> memref<1x640x64xf32, #tpu.memory_space<vmem>>
        %dma_wait3A_469 = tpu.memref_squeeze %dma_wait3A_468 : memref<1x640x64xf32, #tpu.memory_space<vmem>> -> memref<640x64xf32, #tpu.memory_space<vmem>>
        %dma_wait3A_470 = arith.constant 0 : i32
        %dma_wait3A_471 = arith.constant 0 : i32
        %dma_wait3A_472 = tpu.memref_slice %arg4[%dma_wait3A_470, %dma_wait3A_471] : memref<819200x64xf32, #tpu.memory_space<hbm>> -> memref<640x64xf32, #tpu.memory_space<hbm>>
        %dma_wait3A_473 = tpu.memref_slice %arg8[%dma_wait3A_465] : memref<2x!tpu.dma_semaphore, #tpu.memory_space<semaphore_mem>> -> memref<1x!tpu.dma_semaphore, #tpu.memory_space<semaphore_mem>>
        %dma_wait3A_474 = tpu.memref_squeeze %dma_wait3A_473 : memref<1x!tpu.dma_semaphore, #tpu.memory_space<semaphore_mem>> -> memref<!tpu.dma_semaphore, #tpu.memory_space<semaphore_mem>>
        %dma_wait3A_475 = arith.constant 0 : i32
        %dma_wait3A_476 = arith.constant 0 : i32
        %dma_wait3A_477 = tpu.memref_slice %arg4[%dma_wait3A_475, %dma_wait3A_476] : memref<819200x64xf32, #tpu.memory_space<hbm>> -> memref<640x64xf32, #tpu.memory_space<hbm>>
        %dma_wait3A_478 = arith.constant 0 : i32
        %dma_wait3A_479 = arith.constant 0 : i32
        %dma_wait3A_480 = tpu.memref_slice %arg6[%dma_wait3A_464, %dma_wait3A_478, %dma_wait3A_479] : memref<2x640x64xf32, #tpu.memory_space<vmem>> -> memref<1x640x64xf32, #tpu.memory_space<vmem>>
        %dma_wait3A_481 = tpu.memref_squeeze %dma_wait3A_480 : memref<1x640x64xf32, #tpu.memory_space<vmem>> -> memref<640x64xf32, #tpu.memory_space<vmem>>
        tpu.wait_dma2 semaphore(%dma_wait3A_474 : memref<!tpu.dma_semaphore, #tpu.memory_space<semaphore_mem>>) src(%dma_wait3A_481 : memref<640x64xf32, #tpu.memory_space<vmem>>) dst(%dma_wait3A_477 : memref<640x64xf32, #tpu.memory_space<hbm>>)
        %mul3A_482 = arith.constant 5 : i32
        %mul3A_483 = arith.muli %add3A_339, %mul3A_482 : i32
        %add3A_484 = arith.constant 0 : i32
        %add3A_485 = arith.addi %mul3A_483, %add3A_484 : i32
        %dma_start3A_486 = arith.constant 0 : i32
        %dma_start3A_487 = arith.constant 0 : i32
        %dma_start3A_488 = arith.constant 0 : i32
        %dma_start3A_489 = arith.constant 0 : i32
        %dma_start3A_490 = tpu.memref_slice %arg6[%dma_start3A_486, %dma_start3A_488, %dma_start3A_489] : memref<2x640x64xf32, #tpu.memory_space<vmem>> -> memref<1x640x64xf32, #tpu.memory_space<vmem>>
        %dma_start3A_491 = tpu.memref_squeeze %dma_start3A_490 : memref<1x640x64xf32, #tpu.memory_space<vmem>> -> memref<640x64xf32, #tpu.memory_space<vmem>>
        %dma_start3A_492 = arith.constant 0 : i32
        %dma_start3A_493 = arith.constant 0 : i32
        %dma_start3A_494 = tpu.memref_slice %dma_start3A_491[%dma_start3A_492, %dma_start3A_493] : memref<640x64xf32, #tpu.memory_space<vmem>> -> memref<128x64xf32, #tpu.memory_space<vmem>>
        %dma_start3A_495 = arith.constant 0 : i32
        %dma_start3A_496 = tpu.memref_slice %arg5[%add3A_485, %dma_start3A_495] : memref<200x128xi32, #tpu.memory_space<vmem>> -> memref<1x128xi32, #tpu.memory_space<vmem>>
        %dma_start3A_497 = tpu.memref_squeeze %dma_start3A_496 : memref<1x128xi32, #tpu.memory_space<vmem>> -> memref<128xi32, #tpu.memory_space<vmem>>
        %dma_start3A_498 = arith.constant 0 : i32
        %dma_start3A_499 = arith.constant 0 : i32
        %dma_start3A_500 = tpu.memref_slice %arg3[%dma_start3A_498, %dma_start3A_499] : memref<1000000x64xf32, #tpu.memory_space<hbm>> -> memref<1000000x64xf32, #tpu.memory_space<hbm>>
        %dma_start3A_501 = tpu.memref_slice %arg7[%dma_start3A_487] : memref<2x!tpu.dma_semaphore, #tpu.memory_space<semaphore_mem>> -> memref<1x!tpu.dma_semaphore, #tpu.memory_space<semaphore_mem>>
        %dma_start3A_502 = tpu.memref_squeeze %dma_start3A_501 : memref<1x!tpu.dma_semaphore, #tpu.memory_space<semaphore_mem>> -> memref<!tpu.dma_semaphore, #tpu.memory_space<semaphore_mem>>
        tpu.enqueue_indirect_dma source(%dma_start3A_500 : memref<1000000x64xf32, #tpu.memory_space<hbm>>) target(%dma_start3A_494 : memref<128x64xf32, #tpu.memory_space<vmem>>) offsets(%dma_start3A_497 : memref<128xi32, #tpu.memory_space<vmem>>) semaphore(%dma_start3A_502 : memref<!tpu.dma_semaphore, #tpu.memory_space<semaphore_mem>>)
        %mul3A_503 = arith.constant 5 : i32
        %mul3A_504 = arith.muli %add3A_339, %mul3A_503 : i32
        %add3A_505 = arith.constant 1 : i32
        %add3A_506 = arith.addi %mul3A_504, %add3A_505 : i32
        %dma_start3A_507 = arith.constant 0 : i32
        %dma_start3A_508 = arith.constant 0 : i32
        %dma_start3A_509 = arith.constant 0 : i32
        %dma_start3A_510 = arith.constant 0 : i32
        %dma_start3A_511 = tpu.memref_slice %arg6[%dma_start3A_507, %dma_start3A_509, %dma_start3A_510] : memref<2x640x64xf32, #tpu.memory_space<vmem>> -> memref<1x640x64xf32, #tpu.memory_space<vmem>>
        %dma_start3A_512 = tpu.memref_squeeze %dma_start3A_511 : memref<1x640x64xf32, #tpu.memory_space<vmem>> -> memref<640x64xf32, #tpu.memory_space<vmem>>
        %dma_start3A_513 = arith.constant 128 : i32
        %dma_start3A_514 = arith.constant 0 : i32
        %dma_start3A_515 = tpu.memref_slice %dma_start3A_512[%dma_start3A_513, %dma_start3A_514] : memref<640x64xf32, #tpu.memory_space<vmem>> -> memref<128x64xf32, #tpu.memory_space<vmem>>
        %dma_start3A_516 = arith.constant 0 : i32
        %dma_start3A_517 = tpu.memref_slice %arg5[%add3A_506, %dma_start3A_516] : memref<200x128xi32, #tpu.memory_space<vmem>> -> memref<1x128xi32, #tpu.memory_space<vmem>>
        %dma_start3A_518 = tpu.memref_squeeze %dma_start3A_517 : memref<1x128xi32, #tpu.memory_space<vmem>> -> memref<128xi32, #tpu.memory_space<vmem>>
        %dma_start3A_519 = arith.constant 0 : i32
        %dma_start3A_520 = arith.constant 0 : i32
        %dma_start3A_521 = tpu.memref_slice %arg3[%dma_start3A_519, %dma_start3A_520] : memref<1000000x64xf32, #tpu.memory_space<hbm>> -> memref<1000000x64xf32, #tpu.memory_space<hbm>>
        %dma_start3A_522 = tpu.memref_slice %arg7[%dma_start3A_508] : memref<2x!tpu.dma_semaphore, #tpu.memory_space<semaphore_mem>> -> memref<1x!tpu.dma_semaphore, #tpu.memory_space<semaphore_mem>>
        %dma_start3A_523 = tpu.memref_squeeze %dma_start3A_522 : memref<1x!tpu.dma_semaphore, #tpu.memory_space<semaphore_mem>> -> memref<!tpu.dma_semaphore, #tpu.memory_space<semaphore_mem>>
        tpu.enqueue_indirect_dma source(%dma_start3A_521 : memref<1000000x64xf32, #tpu.memory_space<hbm>>) target(%dma_start3A_515 : memref<128x64xf32, #tpu.memory_space<vmem>>) offsets(%dma_start3A_518 : memref<128xi32, #tpu.memory_space<vmem>>) semaphore(%dma_start3A_523 : memref<!tpu.dma_semaphore, #tpu.memory_space<semaphore_mem>>)
        %mul3A_524 = arith.constant 5 : i32
        %mul3A_525 = arith.muli %add3A_339, %mul3A_524 : i32
        %add3A_526 = arith.constant 2 : i32
        %add3A_527 = arith.addi %mul3A_525, %add3A_526 : i32
        %dma_start3A_528 = arith.constant 0 : i32
        %dma_start3A_529 = arith.constant 0 : i32
        %dma_start3A_530 = arith.constant 0 : i32
        %dma_start3A_531 = arith.constant 0 : i32
        %dma_start3A_532 = tpu.memref_slice %arg6[%dma_start3A_528, %dma_start3A_530, %dma_start3A_531] : memref<2x640x64xf32, #tpu.memory_space<vmem>> -> memref<1x640x64xf32, #tpu.memory_space<vmem>>
        %dma_start3A_533 = tpu.memref_squeeze %dma_start3A_532 : memref<1x640x64xf32, #tpu.memory_space<vmem>> -> memref<640x64xf32, #tpu.memory_space<vmem>>
        %dma_start3A_534 = arith.constant 256 : i32
        %dma_start3A_535 = arith.constant 0 : i32
        %dma_start3A_536 = tpu.memref_slice %dma_start3A_533[%dma_start3A_534, %dma_start3A_535] : memref<640x64xf32, #tpu.memory_space<vmem>> -> memref<128x64xf32, #tpu.memory_space<vmem>>
        %dma_start3A_537 = arith.constant 0 : i32
        %dma_start3A_538 = tpu.memref_slice %arg5[%add3A_527, %dma_start3A_537] : memref<200x128xi32, #tpu.memory_space<vmem>> -> memref<1x128xi32, #tpu.memory_space<vmem>>
        %dma_start3A_539 = tpu.memref_squeeze %dma_start3A_538 : memref<1x128xi32, #tpu.memory_space<vmem>> -> memref<128xi32, #tpu.memory_space<vmem>>
        %dma_start3A_540 = arith.constant 0 : i32
        %dma_start3A_541 = arith.constant 0 : i32
        %dma_start3A_542 = tpu.memref_slice %arg3[%dma_start3A_540, %dma_start3A_541] : memref<1000000x64xf32, #tpu.memory_space<hbm>> -> memref<1000000x64xf32, #tpu.memory_space<hbm>>
        %dma_start3A_543 = tpu.memref_slice %arg7[%dma_start3A_529] : memref<2x!tpu.dma_semaphore, #tpu.memory_space<semaphore_mem>> -> memref<1x!tpu.dma_semaphore, #tpu.memory_space<semaphore_mem>>
        %dma_start3A_544 = tpu.memref_squeeze %dma_start3A_543 : memref<1x!tpu.dma_semaphore, #tpu.memory_space<semaphore_mem>> -> memref<!tpu.dma_semaphore, #tpu.memory_space<semaphore_mem>>
        tpu.enqueue_indirect_dma source(%dma_start3A_542 : memref<1000000x64xf32, #tpu.memory_space<hbm>>) target(%dma_start3A_536 : memref<128x64xf32, #tpu.memory_space<vmem>>) offsets(%dma_start3A_539 : memref<128xi32, #tpu.memory_space<vmem>>) semaphore(%dma_start3A_544 : memref<!tpu.dma_semaphore, #tpu.memory_space<semaphore_mem>>)
        %mul3A_545 = arith.constant 5 : i32
        %mul3A_546 = arith.muli %add3A_339, %mul3A_545 : i32
        %add3A_547 = arith.constant 3 : i32
        %add3A_548 = arith.addi %mul3A_546, %add3A_547 : i32
        %dma_start3A_549 = arith.constant 0 : i32
        %dma_start3A_550 = arith.constant 0 : i32
        %dma_start3A_551 = arith.constant 0 : i32
        %dma_start3A_552 = arith.constant 0 : i32
        %dma_start3A_553 = tpu.memref_slice %arg6[%dma_start3A_549, %dma_start3A_551, %dma_start3A_552] : memref<2x640x64xf32, #tpu.memory_space<vmem>> -> memref<1x640x64xf32, #tpu.memory_space<vmem>>
        %dma_start3A_554 = tpu.memref_squeeze %dma_start3A_553 : memref<1x640x64xf32, #tpu.memory_space<vmem>> -> memref<640x64xf32, #tpu.memory_space<vmem>>
        %dma_start3A_555 = arith.constant 384 : i32
        %dma_start3A_556 = arith.constant 0 : i32
        %dma_start3A_557 = tpu.memref_slice %dma_start3A_554[%dma_start3A_555, %dma_start3A_556] : memref<640x64xf32, #tpu.memory_space<vmem>> -> memref<128x64xf32, #tpu.memory_space<vmem>>
        %dma_start3A_558 = arith.constant 0 : i32
        %dma_start3A_559 = tpu.memref_slice %arg5[%add3A_548, %dma_start3A_558] : memref<200x128xi32, #tpu.memory_space<vmem>> -> memref<1x128xi32, #tpu.memory_space<vmem>>
        %dma_start3A_560 = tpu.memref_squeeze %dma_start3A_559 : memref<1x128xi32, #tpu.memory_space<vmem>> -> memref<128xi32, #tpu.memory_space<vmem>>
        %dma_start3A_561 = arith.constant 0 : i32
        %dma_start3A_562 = arith.constant 0 : i32
        %dma_start3A_563 = tpu.memref_slice %arg3[%dma_start3A_561, %dma_start3A_562] : memref<1000000x64xf32, #tpu.memory_space<hbm>> -> memref<1000000x64xf32, #tpu.memory_space<hbm>>
        %dma_start3A_564 = tpu.memref_slice %arg7[%dma_start3A_550] : memref<2x!tpu.dma_semaphore, #tpu.memory_space<semaphore_mem>> -> memref<1x!tpu.dma_semaphore, #tpu.memory_space<semaphore_mem>>
        %dma_start3A_565 = tpu.memref_squeeze %dma_start3A_564 : memref<1x!tpu.dma_semaphore, #tpu.memory_space<semaphore_mem>> -> memref<!tpu.dma_semaphore, #tpu.memory_space<semaphore_mem>>
        tpu.enqueue_indirect_dma source(%dma_start3A_563 : memref<1000000x64xf32, #tpu.memory_space<hbm>>) target(%dma_start3A_557 : memref<128x64xf32, #tpu.memory_space<vmem>>) offsets(%dma_start3A_560 : memref<128xi32, #tpu.memory_space<vmem>>) semaphore(%dma_start3A_565 : memref<!tpu.dma_semaphore, #tpu.memory_space<semaphore_mem>>)
        %mul3A_566 = arith.constant 5 : i32
        %mul3A_567 = arith.muli %add3A_339, %mul3A_566 : i32
        %add3A_568 = arith.constant 4 : i32
        %add3A_569 = arith.addi %mul3A_567, %add3A_568 : i32
        %dma_start3A_570 = arith.constant 0 : i32
        %dma_start3A_571 = arith.constant 0 : i32
        %dma_start3A_572 = arith.constant 0 : i32
        %dma_start3A_573 = arith.constant 0 : i32
        %dma_start3A_574 = tpu.memref_slice %arg6[%dma_start3A_570, %dma_start3A_572, %dma_start3A_573] : memref<2x640x64xf32, #tpu.memory_space<vmem>> -> memref<1x640x64xf32, #tpu.memory_space<vmem>>
        %dma_start3A_575 = tpu.memref_squeeze %dma_start3A_574 : memref<1x640x64xf32, #tpu.memory_space<vmem>> -> memref<640x64xf32, #tpu.memory_space<vmem>>
        %dma_start3A_576 = arith.constant 512 : i32
        %dma_start3A_577 = arith.constant 0 : i32
        %dma_start3A_578 = tpu.memref_slice %dma_start3A_575[%dma_start3A_576, %dma_start3A_577] : memref<640x64xf32, #tpu.memory_space<vmem>> -> memref<128x64xf32, #tpu.memory_space<vmem>>
        %dma_start3A_579 = arith.constant 0 : i32
        %dma_start3A_580 = tpu.memref_slice %arg5[%add3A_569, %dma_start3A_579] : memref<200x128xi32, #tpu.memory_space<vmem>> -> memref<1x128xi32, #tpu.memory_space<vmem>>
        %dma_start3A_581 = tpu.memref_squeeze %dma_start3A_580 : memref<1x128xi32, #tpu.memory_space<vmem>> -> memref<128xi32, #tpu.memory_space<vmem>>
        %dma_start3A_582 = arith.constant 0 : i32
        %dma_start3A_583 = arith.constant 0 : i32
        %dma_start3A_584 = tpu.memref_slice %arg3[%dma_start3A_582, %dma_start3A_583] : memref<1000000x64xf32, #tpu.memory_space<hbm>> -> memref<1000000x64xf32, #tpu.memory_space<hbm>>
        %dma_start3A_585 = tpu.memref_slice %arg7[%dma_start3A_571] : memref<2x!tpu.dma_semaphore, #tpu.memory_space<semaphore_mem>> -> memref<1x!tpu.dma_semaphore, #tpu.memory_space<semaphore_mem>>
        %dma_start3A_586 = tpu.memref_squeeze %dma_start3A_585 : memref<1x!tpu.dma_semaphore, #tpu.memory_space<semaphore_mem>> -> memref<!tpu.dma_semaphore, #tpu.memory_space<semaphore_mem>>
        tpu.enqueue_indirect_dma source(%dma_start3A_584 : memref<1000000x64xf32, #tpu.memory_space<hbm>>) target(%dma_start3A_578 : memref<128x64xf32, #tpu.memory_space<vmem>>) offsets(%dma_start3A_581 : memref<128xi32, #tpu.memory_space<vmem>>) semaphore(%dma_start3A_586 : memref<!tpu.dma_semaphore, #tpu.memory_space<semaphore_mem>>)
      } else {
      }
      %mul3A_342 = arith.constant 2 : i32
      %mul3A_343 = arith.muli %scan3A_222, %mul3A_342 : i32
      %add3A_344 = arith.constant 1 : i32
      %add3A_345 = arith.addi %mul3A_343, %add3A_344 : i32
      %dma_wait3A_346 = arith.constant 0 : i32
      %dma_wait3A_347 = arith.constant 1 : i32
      %dma_wait3A_348 = arith.constant 1 : i32
      %dma_wait3A_349 = arith.constant 0 : i32
      %dma_wait3A_350 = arith.constant 0 : i32
      %dma_wait3A_351 = tpu.memref_slice %arg6[%dma_wait3A_347, %dma_wait3A_349, %dma_wait3A_350] : memref<2x640x64xf32, #tpu.memory_space<vmem>> -> memref<1x640x64xf32, #tpu.memory_space<vmem>>
      %dma_wait3A_352 = tpu.memref_squeeze %dma_wait3A_351 : memref<1x640x64xf32, #tpu.memory_space<vmem>> -> memref<640x64xf32, #tpu.memory_space<vmem>>
      %dma_wait3A_353 = arith.constant 0 : i32
      %dma_wait3A_354 = arith.constant 0 : i32
      %dma_wait3A_355 = tpu.memref_slice %dma_wait3A_352[%dma_wait3A_353, %dma_wait3A_354] : memref<640x64xf32, #tpu.memory_space<vmem>> -> memref<128x64xf32, #tpu.memory_space<vmem>>
      %dma_wait3A_356 = arith.constant 0 : i32
      %dma_wait3A_357 = tpu.memref_slice %arg5[%dma_wait3A_346, %dma_wait3A_356] : memref<200x128xi32, #tpu.memory_space<vmem>> -> memref<1x128xi32, #tpu.memory_space<vmem>>
      %dma_wait3A_358 = tpu.memref_squeeze %dma_wait3A_357 : memref<1x128xi32, #tpu.memory_space<vmem>> -> memref<128xi32, #tpu.memory_space<vmem>>
      %dma_wait3A_359 = arith.constant 0 : i32
      %dma_wait3A_360 = arith.constant 0 : i32
      %dma_wait3A_361 = tpu.memref_slice %arg3[%dma_wait3A_359, %dma_wait3A_360] : memref<1000000x64xf32, #tpu.memory_space<hbm>> -> memref<1000000x64xf32, #tpu.memory_space<hbm>>
      %dma_wait3A_362 = tpu.memref_slice %arg7[%dma_wait3A_348] : memref<2x!tpu.dma_semaphore, #tpu.memory_space<semaphore_mem>> -> memref<1x!tpu.dma_semaphore, #tpu.memory_space<semaphore_mem>>
      %dma_wait3A_363 = tpu.memref_squeeze %dma_wait3A_362 : memref<1x!tpu.dma_semaphore, #tpu.memory_space<semaphore_mem>> -> memref<!tpu.dma_semaphore, #tpu.memory_space<semaphore_mem>>
      tpu.wait_indirect_dma semaphore(%dma_wait3A_363 : memref<!tpu.dma_semaphore, #tpu.memory_space<semaphore_mem>>) src(%dma_wait3A_361 : memref<1000000x64xf32, #tpu.memory_space<hbm>>) dst(%dma_wait3A_355 : memref<128x64xf32, #tpu.memory_space<vmem>>)
      %dma_wait3A_364 = arith.constant 0 : i32
      %dma_wait3A_365 = arith.constant 1 : i32
      %dma_wait3A_366 = arith.constant 1 : i32
      %dma_wait3A_367 = arith.constant 0 : i32
      %dma_wait3A_368 = arith.constant 0 : i32
      %dma_wait3A_369 = tpu.memref_slice %arg6[%dma_wait3A_365, %dma_wait3A_367, %dma_wait3A_368] : memref<2x640x64xf32, #tpu.memory_space<vmem>> -> memref<1x640x64xf32, #tpu.memory_space<vmem>>
      %dma_wait3A_370 = tpu.memref_squeeze %dma_wait3A_369 : memref<1x640x64xf32, #tpu.memory_space<vmem>> -> memref<640x64xf32, #tpu.memory_space<vmem>>
      %dma_wait3A_371 = arith.constant 0 : i32
      %dma_wait3A_372 = arith.constant 0 : i32
      %dma_wait3A_373 = tpu.memref_slice %dma_wait3A_370[%dma_wait3A_371, %dma_wait3A_372] : memref<640x64xf32, #tpu.memory_space<vmem>> -> memref<128x64xf32, #tpu.memory_space<vmem>>
      %dma_wait3A_374 = arith.constant 0 : i32
      %dma_wait3A_375 = tpu.memref_slice %arg5[%dma_wait3A_364, %dma_wait3A_374] : memref<200x128xi32, #tpu.memory_space<vmem>> -> memref<1x128xi32, #tpu.memory_space<vmem>>
      %dma_wait3A_376 = tpu.memref_squeeze %dma_wait3A_375 : memref<1x128xi32, #tpu.memory_space<vmem>> -> memref<128xi32, #tpu.memory_space<vmem>>
      %dma_wait3A_377 = arith.constant 0 : i32
      %dma_wait3A_378 = arith.constant 0 : i32
      %dma_wait3A_379 = tpu.memref_slice %arg3[%dma_wait3A_377, %dma_wait3A_378] : memref<1000000x64xf32, #tpu.memory_space<hbm>> -> memref<1000000x64xf32, #tpu.memory_space<hbm>>
      %dma_wait3A_380 = tpu.memref_slice %arg7[%dma_wait3A_366] : memref<2x!tpu.dma_semaphore, #tpu.memory_space<semaphore_mem>> -> memref<1x!tpu.dma_semaphore, #tpu.memory_space<semaphore_mem>>
      %dma_wait3A_381 = tpu.memref_squeeze %dma_wait3A_380 : memref<1x!tpu.dma_semaphore, #tpu.memory_space<semaphore_mem>> -> memref<!tpu.dma_semaphore, #tpu.memory_space<semaphore_mem>>
      tpu.wait_indirect_dma semaphore(%dma_wait3A_381 : memref<!tpu.dma_semaphore, #tpu.memory_space<semaphore_mem>>) src(%dma_wait3A_379 : memref<1000000x64xf32, #tpu.memory_space<hbm>>) dst(%dma_wait3A_373 : memref<128x64xf32, #tpu.memory_space<vmem>>)
      %dma_wait3A_382 = arith.constant 0 : i32
      %dma_wait3A_383 = arith.constant 1 : i32
      %dma_wait3A_384 = arith.constant 1 : i32
      %dma_wait3A_385 = arith.constant 0 : i32
      %dma_wait3A_386 = arith.constant 0 : i32
      %dma_wait3A_387 = tpu.memref_slice %arg6[%dma_wait3A_383, %dma_wait3A_385, %dma_wait3A_386] : memref<2x640x64xf32, #tpu.memory_space<vmem>> -> memref<1x640x64xf32, #tpu.memory_space<vmem>>
      %dma_wait3A_388 = tpu.memref_squeeze %dma_wait3A_387 : memref<1x640x64xf32, #tpu.memory_space<vmem>> -> memref<640x64xf32, #tpu.memory_space<vmem>>
      %dma_wait3A_389 = arith.constant 0 : i32
      %dma_wait3A_390 = arith.constant 0 : i32
      %dma_wait3A_391 = tpu.memref_slice %dma_wait3A_388[%dma_wait3A_389, %dma_wait3A_390] : memref<640x64xf32, #tpu.memory_space<vmem>> -> memref<128x64xf32, #tpu.memory_space<vmem>>
      %dma_wait3A_392 = arith.constant 0 : i32
      %dma_wait3A_393 = tpu.memref_slice %arg5[%dma_wait3A_382, %dma_wait3A_392] : memref<200x128xi32, #tpu.memory_space<vmem>> -> memref<1x128xi32, #tpu.memory_space<vmem>>
      %dma_wait3A_394 = tpu.memref_squeeze %dma_wait3A_393 : memref<1x128xi32, #tpu.memory_space<vmem>> -> memref<128xi32, #tpu.memory_space<vmem>>
      %dma_wait3A_395 = arith.constant 0 : i32
      %dma_wait3A_396 = arith.constant 0 : i32
      %dma_wait3A_397 = tpu.memref_slice %arg3[%dma_wait3A_395, %dma_wait3A_396] : memref<1000000x64xf32, #tpu.memory_space<hbm>> -> memref<1000000x64xf32, #tpu.memory_space<hbm>>
      %dma_wait3A_398 = tpu.memref_slice %arg7[%dma_wait3A_384] : memref<2x!tpu.dma_semaphore, #tpu.memory_space<semaphore_mem>> -> memref<1x!tpu.dma_semaphore, #tpu.memory_space<semaphore_mem>>
      %dma_wait3A_399 = tpu.memref_squeeze %dma_wait3A_398 : memref<1x!tpu.dma_semaphore, #tpu.memory_space<semaphore_mem>> -> memref<!tpu.dma_semaphore, #tpu.memory_space<semaphore_mem>>
      tpu.wait_indirect_dma semaphore(%dma_wait3A_399 : memref<!tpu.dma_semaphore, #tpu.memory_space<semaphore_mem>>) src(%dma_wait3A_397 : memref<1000000x64xf32, #tpu.memory_space<hbm>>) dst(%dma_wait3A_391 : memref<128x64xf32, #tpu.memory_space<vmem>>)
      %dma_wait3A_400 = arith.constant 0 : i32
      %dma_wait3A_401 = arith.constant 1 : i32
      %dma_wait3A_402 = arith.constant 1 : i32
      %dma_wait3A_403 = arith.constant 0 : i32
      %dma_wait3A_404 = arith.constant 0 : i32
      %dma_wait3A_405 = tpu.memref_slice %arg6[%dma_wait3A_401, %dma_wait3A_403, %dma_wait3A_404] : memref<2x640x64xf32, #tpu.memory_space<vmem>> -> memref<1x640x64xf32, #tpu.memory_space<vmem>>
      %dma_wait3A_406 = tpu.memref_squeeze %dma_wait3A_405 : memref<1x640x64xf32, #tpu.memory_space<vmem>> -> memref<640x64xf32, #tpu.memory_space<vmem>>
      %dma_wait3A_407 = arith.constant 0 : i32
      %dma_wait3A_408 = arith.constant 0 : i32
      %dma_wait3A_409 = tpu.memref_slice %dma_wait3A_406[%dma_wait3A_407, %dma_wait3A_408] : memref<640x64xf32, #tpu.memory_space<vmem>> -> memref<128x64xf32, #tpu.memory_space<vmem>>
      %dma_wait3A_410 = arith.constant 0 : i32
      %dma_wait3A_411 = tpu.memref_slice %arg5[%dma_wait3A_400, %dma_wait3A_410] : memref<200x128xi32, #tpu.memory_space<vmem>> -> memref<1x128xi32, #tpu.memory_space<vmem>>
      %dma_wait3A_412 = tpu.memref_squeeze %dma_wait3A_411 : memref<1x128xi32, #tpu.memory_space<vmem>> -> memref<128xi32, #tpu.memory_space<vmem>>
      %dma_wait3A_413 = arith.constant 0 : i32
      %dma_wait3A_414 = arith.constant 0 : i32
      %dma_wait3A_415 = tpu.memref_slice %arg3[%dma_wait3A_413, %dma_wait3A_414] : memref<1000000x64xf32, #tpu.memory_space<hbm>> -> memref<1000000x64xf32, #tpu.memory_space<hbm>>
      %dma_wait3A_416 = tpu.memref_slice %arg7[%dma_wait3A_402] : memref<2x!tpu.dma_semaphore, #tpu.memory_space<semaphore_mem>> -> memref<1x!tpu.dma_semaphore, #tpu.memory_space<semaphore_mem>>
      %dma_wait3A_417 = tpu.memref_squeeze %dma_wait3A_416 : memref<1x!tpu.dma_semaphore, #tpu.memory_space<semaphore_mem>> -> memref<!tpu.dma_semaphore, #tpu.memory_space<semaphore_mem>>
      tpu.wait_indirect_dma semaphore(%dma_wait3A_417 : memref<!tpu.dma_semaphore, #tpu.memory_space<semaphore_mem>>) src(%dma_wait3A_415 : memref<1000000x64xf32, #tpu.memory_space<hbm>>) dst(%dma_wait3A_409 : memref<128x64xf32, #tpu.memory_space<vmem>>)
      %dma_wait3A_418 = arith.constant 0 : i32
      %dma_wait3A_419 = arith.constant 1 : i32
      %dma_wait3A_420 = arith.constant 1 : i32
      %dma_wait3A_421 = arith.constant 0 : i32
      %dma_wait3A_422 = arith.constant 0 : i32
      %dma_wait3A_423 = tpu.memref_slice %arg6[%dma_wait3A_419, %dma_wait3A_421, %dma_wait3A_422] : memref<2x640x64xf32, #tpu.memory_space<vmem>> -> memref<1x640x64xf32, #tpu.memory_space<vmem>>
      %dma_wait3A_424 = tpu.memref_squeeze %dma_wait3A_423 : memref<1x640x64xf32, #tpu.memory_space<vmem>> -> memref<640x64xf32, #tpu.memory_space<vmem>>
      %dma_wait3A_425 = arith.constant 0 : i32
      %dma_wait3A_426 = arith.constant 0 : i32
      %dma_wait3A_427 = tpu.memref_slice %dma_wait3A_424[%dma_wait3A_425, %dma_wait3A_426] : memref<640x64xf32, #tpu.memory_space<vmem>> -> memref<128x64xf32, #tpu.memory_space<vmem>>
      %dma_wait3A_428 = arith.constant 0 : i32
      %dma_wait3A_429 = tpu.memref_slice %arg5[%dma_wait3A_418, %dma_wait3A_428] : memref<200x128xi32, #tpu.memory_space<vmem>> -> memref<1x128xi32, #tpu.memory_space<vmem>>
      %dma_wait3A_430 = tpu.memref_squeeze %dma_wait3A_429 : memref<1x128xi32, #tpu.memory_space<vmem>> -> memref<128xi32, #tpu.memory_space<vmem>>
      %dma_wait3A_431 = arith.constant 0 : i32
      %dma_wait3A_432 = arith.constant 0 : i32
      %dma_wait3A_433 = tpu.memref_slice %arg3[%dma_wait3A_431, %dma_wait3A_432] : memref<1000000x64xf32, #tpu.memory_space<hbm>> -> memref<1000000x64xf32, #tpu.memory_space<hbm>>
      %dma_wait3A_434 = tpu.memref_slice %arg7[%dma_wait3A_420] : memref<2x!tpu.dma_semaphore, #tpu.memory_space<semaphore_mem>> -> memref<1x!tpu.dma_semaphore, #tpu.memory_space<semaphore_mem>>
      %dma_wait3A_435 = tpu.memref_squeeze %dma_wait3A_434 : memref<1x!tpu.dma_semaphore, #tpu.memory_space<semaphore_mem>> -> memref<!tpu.dma_semaphore, #tpu.memory_space<semaphore_mem>>
      tpu.wait_indirect_dma semaphore(%dma_wait3A_435 : memref<!tpu.dma_semaphore, #tpu.memory_space<semaphore_mem>>) src(%dma_wait3A_433 : memref<1000000x64xf32, #tpu.memory_space<hbm>>) dst(%dma_wait3A_427 : memref<128x64xf32, #tpu.memory_space<vmem>>)
      %mul3A_436 = arith.constant 5 : i32
      %mul3A_437 = arith.muli %add3A_345, %mul3A_436 : i32
      %add3A_438 = arith.addi %mul3A_2, %mul3A_437 : i32
      %mul3A_439 = arith.constant 128 : i32
      %mul3A_440 = arith.muli %add3A_438, %mul3A_439 : i32
      %dma_start3A_441 = arith.constant 1 : i32
      %dma_start3A_442 = arith.constant 1 : i32
      %dma_start3A_443 = arith.constant 0 : i32
      %dma_start3A_444 = arith.constant 0 : i32
      %dma_start3A_445 = tpu.memref_slice %arg6[%dma_start3A_441, %dma_start3A_443, %dma_start3A_444] : memref<2x640x64xf32, #tpu.memory_space<vmem>> -> memref<1x640x64xf32, #tpu.memory_space<vmem>>
      %dma_start3A_446 = tpu.memref_squeeze %dma_start3A_445 : memref<1x640x64xf32, #tpu.memory_space<vmem>> -> memref<640x64xf32, #tpu.memory_space<vmem>>
      %dma_start3A_447 = arith.constant 0 : i32
      %dma_start3A_448 = tpu.memref_slice %arg4[%mul3A_440, %dma_start3A_447] : memref<819200x64xf32, #tpu.memory_space<hbm>> -> memref<640x64xf32, #tpu.memory_space<hbm>>
      %dma_start3A_449 = tpu.memref_slice %arg8[%dma_start3A_442] : memref<2x!tpu.dma_semaphore, #tpu.memory_space<semaphore_mem>> -> memref<1x!tpu.dma_semaphore, #tpu.memory_space<semaphore_mem>>
      %dma_start3A_450 = tpu.memref_squeeze %dma_start3A_449 : memref<1x!tpu.dma_semaphore, #tpu.memory_space<semaphore_mem>> -> memref<!tpu.dma_semaphore, #tpu.memory_space<semaphore_mem>>
      %dma_start3A_451 = arith.constant 0 : i32
      %dma_start3A_452 = tpu.memref_slice %arg4[%mul3A_440, %dma_start3A_451] : memref<819200x64xf32, #tpu.memory_space<hbm>> -> memref<640x64xf32, #tpu.memory_space<hbm>>
      %dma_start3A_453 = arith.constant 0 : i32
      %dma_start3A_454 = arith.constant 0 : i32
      %dma_start3A_455 = tpu.memref_slice %arg6[%dma_start3A_441, %dma_start3A_453, %dma_start3A_454] : memref<2x640x64xf32, #tpu.memory_space<vmem>> -> memref<1x640x64xf32, #tpu.memory_space<vmem>>
      %dma_start3A_456 = tpu.memref_squeeze %dma_start3A_455 : memref<1x640x64xf32, #tpu.memory_space<vmem>> -> memref<640x64xf32, #tpu.memory_space<vmem>>
      tpu.enqueue_dma source(%dma_start3A_456 : memref<640x64xf32, #tpu.memory_space<vmem>>) target(%dma_start3A_452 : memref<640x64xf32, #tpu.memory_space<hbm>>) target_semaphore(%dma_start3A_450 : memref<!tpu.dma_semaphore, #tpu.memory_space<semaphore_mem>>)
      %add3A_457 = arith.constant 2 : i32
      %add3A_458 = arith.addi %add3A_345, %add3A_457 : i32
      %lt3A_459 = arith.constant 40 : i32
      %lt3A_460 = arith.cmpi slt, %add3A_458, %lt3A_459 : i32
      %convert_element_type3A_461 = arith.extui %lt3A_460 : i1 to i32
      %cond3A_462 = arith.constant 0 : i32
      %cond3A_463 = arith.cmpi ne, %convert_element_type3A_461, %cond3A_462 : i32
      scf.if %cond3A_463 {
        %dma_wait3A_464 = arith.constant 1 : i32
        %dma_wait3A_465 = arith.constant 1 : i32
        %dma_wait3A_466 = arith.constant 0 : i32
        %dma_wait3A_467 = arith.constant 0 : i32
        %dma_wait3A_468 = tpu.memref_slice %arg6[%dma_wait3A_464, %dma_wait3A_466, %dma_wait3A_467] : memref<2x640x64xf32, #tpu.memory_space<vmem>> -> memref<1x640x64xf32, #tpu.memory_space<vmem>>
        %dma_wait3A_469 = tpu.memref_squeeze %dma_wait3A_468 : memref<1x640x64xf32, #tpu.memory_space<vmem>> -> memref<640x64xf32, #tpu.memory_space<vmem>>
        %dma_wait3A_470 = arith.constant 0 : i32
        %dma_wait3A_471 = arith.constant 0 : i32
        %dma_wait3A_472 = tpu.memref_slice %arg4[%dma_wait3A_470, %dma_wait3A_471] : memref<819200x64xf32, #tpu.memory_space<hbm>> -> memref<640x64xf32, #tpu.memory_space<hbm>>
        %dma_wait3A_473 = tpu.memref_slice %arg8[%dma_wait3A_465] : memref<2x!tpu.dma_semaphore, #tpu.memory_space<semaphore_mem>> -> memref<1x!tpu.dma_semaphore, #tpu.memory_space<semaphore_mem>>
        %dma_wait3A_474 = tpu.memref_squeeze %dma_wait3A_473 : memref<1x!tpu.dma_semaphore, #tpu.memory_space<semaphore_mem>> -> memref<!tpu.dma_semaphore, #tpu.memory_space<semaphore_mem>>
        %dma_wait3A_475 = arith.constant 0 : i32
        %dma_wait3A_476 = arith.constant 0 : i32
        %dma_wait3A_477 = tpu.memref_slice %arg4[%dma_wait3A_475, %dma_wait3A_476] : memref<819200x64xf32, #tpu.memory_space<hbm>> -> memref<640x64xf32, #tpu.memory_space<hbm>>
        %dma_wait3A_478 = arith.constant 0 : i32
        %dma_wait3A_479 = arith.constant 0 : i32
        %dma_wait3A_480 = tpu.memref_slice %arg6[%dma_wait3A_464, %dma_wait3A_478, %dma_wait3A_479] : memref<2x640x64xf32, #tpu.memory_space<vmem>> -> memref<1x640x64xf32, #tpu.memory_space<vmem>>
        %dma_wait3A_481 = tpu.memref_squeeze %dma_wait3A_480 : memref<1x640x64xf32, #tpu.memory_space<vmem>> -> memref<640x64xf32, #tpu.memory_space<vmem>>
        tpu.wait_dma2 semaphore(%dma_wait3A_474 : memref<!tpu.dma_semaphore, #tpu.memory_space<semaphore_mem>>) src(%dma_wait3A_481 : memref<640x64xf32, #tpu.memory_space<vmem>>) dst(%dma_wait3A_477 : memref<640x64xf32, #tpu.memory_space<hbm>>)
        %mul3A_482 = arith.constant 5 : i32
        %mul3A_483 = arith.muli %add3A_458, %mul3A_482 : i32
        %add3A_484 = arith.constant 0 : i32
        %add3A_485 = arith.addi %mul3A_483, %add3A_484 : i32
        %dma_start3A_486 = arith.constant 1 : i32
        %dma_start3A_487 = arith.constant 1 : i32
        %dma_start3A_488 = arith.constant 0 : i32
        %dma_start3A_489 = arith.constant 0 : i32
        %dma_start3A_490 = tpu.memref_slice %arg6[%dma_start3A_486, %dma_start3A_488, %dma_start3A_489] : memref<2x640x64xf32, #tpu.memory_space<vmem>> -> memref<1x640x64xf32, #tpu.memory_space<vmem>>
        %dma_start3A_491 = tpu.memref_squeeze %dma_start3A_490 : memref<1x640x64xf32, #tpu.memory_space<vmem>> -> memref<640x64xf32, #tpu.memory_space<vmem>>
        %dma_start3A_492 = arith.constant 0 : i32
        %dma_start3A_493 = arith.constant 0 : i32
        %dma_start3A_494 = tpu.memref_slice %dma_start3A_491[%dma_start3A_492, %dma_start3A_493] : memref<640x64xf32, #tpu.memory_space<vmem>> -> memref<128x64xf32, #tpu.memory_space<vmem>>
        %dma_start3A_495 = arith.constant 0 : i32
        %dma_start3A_496 = tpu.memref_slice %arg5[%add3A_485, %dma_start3A_495] : memref<200x128xi32, #tpu.memory_space<vmem>> -> memref<1x128xi32, #tpu.memory_space<vmem>>
        %dma_start3A_497 = tpu.memref_squeeze %dma_start3A_496 : memref<1x128xi32, #tpu.memory_space<vmem>> -> memref<128xi32, #tpu.memory_space<vmem>>
        %dma_start3A_498 = arith.constant 0 : i32
        %dma_start3A_499 = arith.constant 0 : i32
        %dma_start3A_500 = tpu.memref_slice %arg3[%dma_start3A_498, %dma_start3A_499] : memref<1000000x64xf32, #tpu.memory_space<hbm>> -> memref<1000000x64xf32, #tpu.memory_space<hbm>>
        %dma_start3A_501 = tpu.memref_slice %arg7[%dma_start3A_487] : memref<2x!tpu.dma_semaphore, #tpu.memory_space<semaphore_mem>> -> memref<1x!tpu.dma_semaphore, #tpu.memory_space<semaphore_mem>>
        %dma_start3A_502 = tpu.memref_squeeze %dma_start3A_501 : memref<1x!tpu.dma_semaphore, #tpu.memory_space<semaphore_mem>> -> memref<!tpu.dma_semaphore, #tpu.memory_space<semaphore_mem>>
        tpu.enqueue_indirect_dma source(%dma_start3A_500 : memref<1000000x64xf32, #tpu.memory_space<hbm>>) target(%dma_start3A_494 : memref<128x64xf32, #tpu.memory_space<vmem>>) offsets(%dma_start3A_497 : memref<128xi32, #tpu.memory_space<vmem>>) semaphore(%dma_start3A_502 : memref<!tpu.dma_semaphore, #tpu.memory_space<semaphore_mem>>)
        %mul3A_503 = arith.constant 5 : i32
        %mul3A_504 = arith.muli %add3A_458, %mul3A_503 : i32
        %add3A_505 = arith.constant 1 : i32
        %add3A_506 = arith.addi %mul3A_504, %add3A_505 : i32
        %dma_start3A_507 = arith.constant 1 : i32
        %dma_start3A_508 = arith.constant 1 : i32
        %dma_start3A_509 = arith.constant 0 : i32
        %dma_start3A_510 = arith.constant 0 : i32
        %dma_start3A_511 = tpu.memref_slice %arg6[%dma_start3A_507, %dma_start3A_509, %dma_start3A_510] : memref<2x640x64xf32, #tpu.memory_space<vmem>> -> memref<1x640x64xf32, #tpu.memory_space<vmem>>
        %dma_start3A_512 = tpu.memref_squeeze %dma_start3A_511 : memref<1x640x64xf32, #tpu.memory_space<vmem>> -> memref<640x64xf32, #tpu.memory_space<vmem>>
        %dma_start3A_513 = arith.constant 128 : i32
        %dma_start3A_514 = arith.constant 0 : i32
        %dma_start3A_515 = tpu.memref_slice %dma_start3A_512[%dma_start3A_513, %dma_start3A_514] : memref<640x64xf32, #tpu.memory_space<vmem>> -> memref<128x64xf32, #tpu.memory_space<vmem>>
        %dma_start3A_516 = arith.constant 0 : i32
        %dma_start3A_517 = tpu.memref_slice %arg5[%add3A_506, %dma_start3A_516] : memref<200x128xi32, #tpu.memory_space<vmem>> -> memref<1x128xi32, #tpu.memory_space<vmem>>
        %dma_start3A_518 = tpu.memref_squeeze %dma_start3A_517 : memref<1x128xi32, #tpu.memory_space<vmem>> -> memref<128xi32, #tpu.memory_space<vmem>>
        %dma_start3A_519 = arith.constant 0 : i32
        %dma_start3A_520 = arith.constant 0 : i32
        %dma_start3A_521 = tpu.memref_slice %arg3[%dma_start3A_519, %dma_start3A_520] : memref<1000000x64xf32, #tpu.memory_space<hbm>> -> memref<1000000x64xf32, #tpu.memory_space<hbm>>
        %dma_start3A_522 = tpu.memref_slice %arg7[%dma_start3A_508] : memref<2x!tpu.dma_semaphore, #tpu.memory_space<semaphore_mem>> -> memref<1x!tpu.dma_semaphore, #tpu.memory_space<semaphore_mem>>
        %dma_start3A_523 = tpu.memref_squeeze %dma_start3A_522 : memref<1x!tpu.dma_semaphore, #tpu.memory_space<semaphore_mem>> -> memref<!tpu.dma_semaphore, #tpu.memory_space<semaphore_mem>>
        tpu.enqueue_indirect_dma source(%dma_start3A_521 : memref<1000000x64xf32, #tpu.memory_space<hbm>>) target(%dma_start3A_515 : memref<128x64xf32, #tpu.memory_space<vmem>>) offsets(%dma_start3A_518 : memref<128xi32, #tpu.memory_space<vmem>>) semaphore(%dma_start3A_523 : memref<!tpu.dma_semaphore, #tpu.memory_space<semaphore_mem>>)
        %mul3A_524 = arith.constant 5 : i32
        %mul3A_525 = arith.muli %add3A_458, %mul3A_524 : i32
        %add3A_526 = arith.constant 2 : i32
        %add3A_527 = arith.addi %mul3A_525, %add3A_526 : i32
        %dma_start3A_528 = arith.constant 1 : i32
        %dma_start3A_529 = arith.constant 1 : i32
        %dma_start3A_530 = arith.constant 0 : i32
        %dma_start3A_531 = arith.constant 0 : i32
        %dma_start3A_532 = tpu.memref_slice %arg6[%dma_start3A_528, %dma_start3A_530, %dma_start3A_531] : memref<2x640x64xf32, #tpu.memory_space<vmem>> -> memref<1x640x64xf32, #tpu.memory_space<vmem>>
        %dma_start3A_533 = tpu.memref_squeeze %dma_start3A_532 : memref<1x640x64xf32, #tpu.memory_space<vmem>> -> memref<640x64xf32, #tpu.memory_space<vmem>>
        %dma_start3A_534 = arith.constant 256 : i32
        %dma_start3A_535 = arith.constant 0 : i32
        %dma_start3A_536 = tpu.memref_slice %dma_start3A_533[%dma_start3A_534, %dma_start3A_535] : memref<640x64xf32, #tpu.memory_space<vmem>> -> memref<128x64xf32, #tpu.memory_space<vmem>>
        %dma_start3A_537 = arith.constant 0 : i32
        %dma_start3A_538 = tpu.memref_slice %arg5[%add3A_527, %dma_start3A_537] : memref<200x128xi32, #tpu.memory_space<vmem>> -> memref<1x128xi32, #tpu.memory_space<vmem>>
        %dma_start3A_539 = tpu.memref_squeeze %dma_start3A_538 : memref<1x128xi32, #tpu.memory_space<vmem>> -> memref<128xi32, #tpu.memory_space<vmem>>
        %dma_start3A_540 = arith.constant 0 : i32
        %dma_start3A_541 = arith.constant 0 : i32
        %dma_start3A_542 = tpu.memref_slice %arg3[%dma_start3A_540, %dma_start3A_541] : memref<1000000x64xf32, #tpu.memory_space<hbm>> -> memref<1000000x64xf32, #tpu.memory_space<hbm>>
        %dma_start3A_543 = tpu.memref_slice %arg7[%dma_start3A_529] : memref<2x!tpu.dma_semaphore, #tpu.memory_space<semaphore_mem>> -> memref<1x!tpu.dma_semaphore, #tpu.memory_space<semaphore_mem>>
        %dma_start3A_544 = tpu.memref_squeeze %dma_start3A_543 : memref<1x!tpu.dma_semaphore, #tpu.memory_space<semaphore_mem>> -> memref<!tpu.dma_semaphore, #tpu.memory_space<semaphore_mem>>
        tpu.enqueue_indirect_dma source(%dma_start3A_542 : memref<1000000x64xf32, #tpu.memory_space<hbm>>) target(%dma_start3A_536 : memref<128x64xf32, #tpu.memory_space<vmem>>) offsets(%dma_start3A_539 : memref<128xi32, #tpu.memory_space<vmem>>) semaphore(%dma_start3A_544 : memref<!tpu.dma_semaphore, #tpu.memory_space<semaphore_mem>>)
        %mul3A_545 = arith.constant 5 : i32
        %mul3A_546 = arith.muli %add3A_458, %mul3A_545 : i32
        %add3A_547 = arith.constant 3 : i32
        %add3A_548 = arith.addi %mul3A_546, %add3A_547 : i32
        %dma_start3A_549 = arith.constant 1 : i32
        %dma_start3A_550 = arith.constant 1 : i32
        %dma_start3A_551 = arith.constant 0 : i32
        %dma_start3A_552 = arith.constant 0 : i32
        %dma_start3A_553 = tpu.memref_slice %arg6[%dma_start3A_549, %dma_start3A_551, %dma_start3A_552] : memref<2x640x64xf32, #tpu.memory_space<vmem>> -> memref<1x640x64xf32, #tpu.memory_space<vmem>>
        %dma_start3A_554 = tpu.memref_squeeze %dma_start3A_553 : memref<1x640x64xf32, #tpu.memory_space<vmem>> -> memref<640x64xf32, #tpu.memory_space<vmem>>
        %dma_start3A_555 = arith.constant 384 : i32
        %dma_start3A_556 = arith.constant 0 : i32
        %dma_start3A_557 = tpu.memref_slice %dma_start3A_554[%dma_start3A_555, %dma_start3A_556] : memref<640x64xf32, #tpu.memory_space<vmem>> -> memref<128x64xf32, #tpu.memory_space<vmem>>
        %dma_start3A_558 = arith.constant 0 : i32
        %dma_start3A_559 = tpu.memref_slice %arg5[%add3A_548, %dma_start3A_558] : memref<200x128xi32, #tpu.memory_space<vmem>> -> memref<1x128xi32, #tpu.memory_space<vmem>>
        %dma_start3A_560 = tpu.memref_squeeze %dma_start3A_559 : memref<1x128xi32, #tpu.memory_space<vmem>> -> memref<128xi32, #tpu.memory_space<vmem>>
        %dma_start3A_561 = arith.constant 0 : i32
        %dma_start3A_562 = arith.constant 0 : i32
        %dma_start3A_563 = tpu.memref_slice %arg3[%dma_start3A_561, %dma_start3A_562] : memref<1000000x64xf32, #tpu.memory_space<hbm>> -> memref<1000000x64xf32, #tpu.memory_space<hbm>>
        %dma_start3A_564 = tpu.memref_slice %arg7[%dma_start3A_550] : memref<2x!tpu.dma_semaphore, #tpu.memory_space<semaphore_mem>> -> memref<1x!tpu.dma_semaphore, #tpu.memory_space<semaphore_mem>>
        %dma_start3A_565 = tpu.memref_squeeze %dma_start3A_564 : memref<1x!tpu.dma_semaphore, #tpu.memory_space<semaphore_mem>> -> memref<!tpu.dma_semaphore, #tpu.memory_space<semaphore_mem>>
        tpu.enqueue_indirect_dma source(%dma_start3A_563 : memref<1000000x64xf32, #tpu.memory_space<hbm>>) target(%dma_start3A_557 : memref<128x64xf32, #tpu.memory_space<vmem>>) offsets(%dma_start3A_560 : memref<128xi32, #tpu.memory_space<vmem>>) semaphore(%dma_start3A_565 : memref<!tpu.dma_semaphore, #tpu.memory_space<semaphore_mem>>)
        %mul3A_566 = arith.constant 5 : i32
        %mul3A_567 = arith.muli %add3A_458, %mul3A_566 : i32
        %add3A_568 = arith.constant 4 : i32
        %add3A_569 = arith.addi %mul3A_567, %add3A_568 : i32
        %dma_start3A_570 = arith.constant 1 : i32
        %dma_start3A_571 = arith.constant 1 : i32
        %dma_start3A_572 = arith.constant 0 : i32
        %dma_start3A_573 = arith.constant 0 : i32
        %dma_start3A_574 = tpu.memref_slice %arg6[%dma_start3A_570, %dma_start3A_572, %dma_start3A_573] : memref<2x640x64xf32, #tpu.memory_space<vmem>> -> memref<1x640x64xf32, #tpu.memory_space<vmem>>
        %dma_start3A_575 = tpu.memref_squeeze %dma_start3A_574 : memref<1x640x64xf32, #tpu.memory_space<vmem>> -> memref<640x64xf32, #tpu.memory_space<vmem>>
        %dma_start3A_576 = arith.constant 512 : i32
        %dma_start3A_577 = arith.constant 0 : i32
        %dma_start3A_578 = tpu.memref_slice %dma_start3A_575[%dma_start3A_576, %dma_start3A_577] : memref<640x64xf32, #tpu.memory_space<vmem>> -> memref<128x64xf32, #tpu.memory_space<vmem>>
        %dma_start3A_579 = arith.constant 0 : i32
        %dma_start3A_580 = tpu.memref_slice %arg5[%add3A_569, %dma_start3A_579] : memref<200x128xi32, #tpu.memory_space<vmem>> -> memref<1x128xi32, #tpu.memory_space<vmem>>
        %dma_start3A_581 = tpu.memref_squeeze %dma_start3A_580 : memref<1x128xi32, #tpu.memory_space<vmem>> -> memref<128xi32, #tpu.memory_space<vmem>>
        %dma_start3A_582 = arith.constant 0 : i32
        %dma_start3A_583 = arith.constant 0 : i32
        %dma_start3A_584 = tpu.memref_slice %arg3[%dma_start3A_582, %dma_start3A_583] : memref<1000000x64xf32, #tpu.memory_space<hbm>> -> memref<1000000x64xf32, #tpu.memory_space<hbm>>
        %dma_start3A_585 = tpu.memref_slice %arg7[%dma_start3A_571] : memref<2x!tpu.dma_semaphore, #tpu.memory_space<semaphore_mem>> -> memref<1x!tpu.dma_semaphore, #tpu.memory_space<semaphore_mem>>
        %dma_start3A_586 = tpu.memref_squeeze %dma_start3A_585 : memref<1x!tpu.dma_semaphore, #tpu.memory_space<semaphore_mem>> -> memref<!tpu.dma_semaphore, #tpu.memory_space<semaphore_mem>>
        tpu.enqueue_indirect_dma source(%dma_start3A_584 : memref<1000000x64xf32, #tpu.memory_space<hbm>>) target(%dma_start3A_578 : memref<128x64xf32, #tpu.memory_space<vmem>>) offsets(%dma_start3A_581 : memref<128xi32, #tpu.memory_space<vmem>>) semaphore(%dma_start3A_586 : memref<!tpu.dma_semaphore, #tpu.memory_space<semaphore_mem>>)
      } else {
      }
    }
    %scan3A_186 = arith.constant 20 : i32
    %dma_wait3A = arith.constant 0 : i32
    %dma_wait3A_187 = arith.constant 0 : i32
    %dma_wait3A_188 = arith.constant 0 : i32
    %dma_wait3A_189 = arith.constant 0 : i32
    %dma_wait3A_190 = tpu.memref_slice %arg6[%dma_wait3A, %dma_wait3A_188, %dma_wait3A_189] : memref<2x640x64xf32, #tpu.memory_space<vmem>> -> memref<1x640x64xf32, #tpu.memory_space<vmem>>
    %dma_wait3A_191 = tpu.memref_squeeze %dma_wait3A_190 : memref<1x640x64xf32, #tpu.memory_space<vmem>> -> memref<640x64xf32, #tpu.memory_space<vmem>>
    %dma_wait3A_192 = arith.constant 0 : i32
    %dma_wait3A_193 = arith.constant 0 : i32
    %dma_wait3A_194 = tpu.memref_slice %arg4[%dma_wait3A_192, %dma_wait3A_193] : memref<819200x64xf32, #tpu.memory_space<hbm>> -> memref<640x64xf32, #tpu.memory_space<hbm>>
    %dma_wait3A_195 = tpu.memref_slice %arg8[%dma_wait3A_187] : memref<2x!tpu.dma_semaphore, #tpu.memory_space<semaphore_mem>> -> memref<1x!tpu.dma_semaphore, #tpu.memory_space<semaphore_mem>>
    %dma_wait3A_196 = tpu.memref_squeeze %dma_wait3A_195 : memref<1x!tpu.dma_semaphore, #tpu.memory_space<semaphore_mem>> -> memref<!tpu.dma_semaphore, #tpu.memory_space<semaphore_mem>>
    %dma_wait3A_197 = arith.constant 0 : i32
    %dma_wait3A_198 = arith.constant 0 : i32
    %dma_wait3A_199 = tpu.memref_slice %arg4[%dma_wait3A_197, %dma_wait3A_198] : memref<819200x64xf32, #tpu.memory_space<hbm>> -> memref<640x64xf32, #tpu.memory_space<hbm>>
    %dma_wait3A_200 = arith.constant 0 : i32
    %dma_wait3A_201 = arith.constant 0 : i32
    %dma_wait3A_202 = tpu.memref_slice %arg6[%dma_wait3A, %dma_wait3A_200, %dma_wait3A_201] : memref<2x640x64xf32, #tpu.memory_space<vmem>> -> memref<1x640x64xf32, #tpu.memory_space<vmem>>
    %dma_wait3A_203 = tpu.memref_squeeze %dma_wait3A_202 : memref<1x640x64xf32, #tpu.memory_space<vmem>> -> memref<640x64xf32, #tpu.memory_space<vmem>>
    tpu.wait_dma2 semaphore(%dma_wait3A_196 : memref<!tpu.dma_semaphore, #tpu.memory_space<semaphore_mem>>) src(%dma_wait3A_203 : memref<640x64xf32, #tpu.memory_space<vmem>>) dst(%dma_wait3A_199 : memref<640x64xf32, #tpu.memory_space<hbm>>)
    %dma_wait3A_204 = arith.constant 1 : i32
    %dma_wait3A_205 = arith.constant 1 : i32
    %dma_wait3A_206 = arith.constant 0 : i32
    %dma_wait3A_207 = arith.constant 0 : i32
    %dma_wait3A_208 = tpu.memref_slice %arg6[%dma_wait3A_204, %dma_wait3A_206, %dma_wait3A_207] : memref<2x640x64xf32, #tpu.memory_space<vmem>> -> memref<1x640x64xf32, #tpu.memory_space<vmem>>
    %dma_wait3A_209 = tpu.memref_squeeze %dma_wait3A_208 : memref<1x640x64xf32, #tpu.memory_space<vmem>> -> memref<640x64xf32, #tpu.memory_space<vmem>>
    %dma_wait3A_210 = arith.constant 0 : i32
    %dma_wait3A_211 = arith.constant 0 : i32
    %dma_wait3A_212 = tpu.memref_slice %arg4[%dma_wait3A_210, %dma_wait3A_211] : memref<819200x64xf32, #tpu.memory_space<hbm>> -> memref<640x64xf32, #tpu.memory_space<hbm>>
    %dma_wait3A_213 = tpu.memref_slice %arg8[%dma_wait3A_205] : memref<2x!tpu.dma_semaphore, #tpu.memory_space<semaphore_mem>> -> memref<1x!tpu.dma_semaphore, #tpu.memory_space<semaphore_mem>>
    %dma_wait3A_214 = tpu.memref_squeeze %dma_wait3A_213 : memref<1x!tpu.dma_semaphore, #tpu.memory_space<semaphore_mem>> -> memref<!tpu.dma_semaphore, #tpu.memory_space<semaphore_mem>>
    %dma_wait3A_215 = arith.constant 0 : i32
    %dma_wait3A_216 = arith.constant 0 : i32
    %dma_wait3A_217 = tpu.memref_slice %arg4[%dma_wait3A_215, %dma_wait3A_216] : memref<819200x64xf32, #tpu.memory_space<hbm>> -> memref<640x64xf32, #tpu.memory_space<hbm>>
    %dma_wait3A_218 = arith.constant 0 : i32
    %dma_wait3A_219 = arith.constant 0 : i32
    %dma_wait3A_220 = tpu.memref_slice %arg6[%dma_wait3A_204, %dma_wait3A_218, %dma_wait3A_219] : memref<2x640x64xf32, #tpu.memory_space<vmem>> -> memref<1x640x64xf32, #tpu.memory_space<vmem>>
    %dma_wait3A_221 = tpu.memref_squeeze %dma_wait3A_220 : memref<1x640x64xf32, #tpu.memory_space<vmem>> -> memref<640x64xf32, #tpu.memory_space<vmem>>
    tpu.wait_dma2 semaphore(%dma_wait3A_214 : memref<!tpu.dma_semaphore, #tpu.memory_space<semaphore_mem>>) src(%dma_wait3A_221 : memref<640x64xf32, #tpu.memory_space<vmem>>) dst(%dma_wait3A_217 : memref<640x64xf32, #tpu.memory_space<hbm>>)
    return
  }
}

</mosaic_0001>

<sc_bundles>
// kernel: kernel.3.cloned.1.call-start
scs
__scs_entry_jumppad:
0x0: {  	(pc) =	sbr.rel $0x88, $3  }
0x1: {  	(tag) =	ssettag $0x0;
	lr =	simm.s32 $0x1  }
0x2: {  	[smem:$0x3F9F] =	sst lr;
	_ =	strace $0xD0000000  }
0x3: {  	_ = 	snop  }
0x4: {  	_ = 	snop  }
0x5: {  	_ = 	snop  }
0x6: {  	_ = 	snop  }
0x7: {  	_ = 	snop  }
__scs_overlays_trampoline_lowered:
0x8: {  	[smem:$0x3FAE] =	sst s0  }
0x9: {  	[smem:$0x3FAF] =	sst s1  }
0xa: {  	[smem:$0x3FB0] =	sst s2  }
0xb: {  	[smem:$0x3FB1] =	sst s3  }
0xc: {  	[smem:$0x3FB2] =	sst s4  }
0xd: {  	[smem:$0x3FB3] =	sst s5  }
0xe: {  	[smem:$0x3FB4] =	sst s6  }
0xf: {  	[smem:$0x3FB5] =	sst s7  }
0x10: {  	[smem:$0x3FB6] =	sst s8  }
0x11: {  	[smem:$0x3FB7] =	sst s9;
	s0 =	simm.s32 @!p0 $0x0  }
0x12: {  	s1 =	sld [smem:$0x3F9D];
	s0 =	simm.s32 @p0 $0x1  }
0x13: {  	[smem:$0x3FB8] =	sst s0;
	s0 =	simm.s32 @!p1 $0x0  }
0x14: {  	s2 =	sld [smem:$0x3F9C];
	s0 =	simm.s32 @p1 $0x1  }
0x15: {  	[smem:$0x3FB9] =	sst s0;
	s0 =	simm.s32 @!p2 $0x0  }
0x16: {  	s3 =	sld [smem:$0x3FDB];
	s0 =	simm.s32 @p2 $0x1  }
0x17: {  	s4 =	simm.s32 $0x1BF5;
	[smem:$0x3FBB] =	sst s0  }
0x18: {  	s0 =	sld [smem:$0x3F9E];
	_ =	swait.ge [sflag:s4], $0x0  }
0x19: {  	s7 =	sld [smem:$0x3F9F]  }
0x1a: {  	s8 =	sadd.s32 $0xFFFFE003, lr  }
0x1b: {  	s9 =	sadd.s32 $0xFFFFFEF7, lr;
	s5 =	simm.s32 $0xFFFFFFFF;
	p2 =	slt.u32 s8, $0xFFFFF086  }
0x1c: {  	p1 =	slt.u32 s9, $0xF7A;
	s5 =	simm.s32 @!p2 $0x0  }
0x1d: {  	s5 =	simm.s32 @p1 $0x1;
	p0 =	seq.s32 s7, s2  }
0x1e: {  	s7 =	smul.u32 @!p0 $0xF7A, s2;
	p2 =	seq.s32 @!p0 s5, $0x0  }
0x1f: {  	s9 =	smul.u32 $0xF7A, s1;
	s8 =	simm.s32 @!p0 $0x1BF5;
	p2 =	por !p2, p0  }
0x20: {  	[sflag:s8] =	ssyncset.s32 @!p0 $0xFFFFF086;
	s6 =	sadd.s32 @!p0 s3, s7;
	s7 =	simm.s32 @!p0 $0x108  }
0x21: {  	s3 =	sadd.s32 s3, s9;
	s6 =	sadd.s32 @!p0 $0x88, s6;
	s7 =	simm.s32 @p2 $0x1082  }
0x22: {  	[simem:s7], [sflag:s8] =	dma.local @!p0 [hbm:s6], $0xF7A  }
0x23: {  	s9 =	sor.u32 $0xD0000000, s2;
	s6 =	simm.s32 $0x108;
	_ =	swait.ge @!p0 [sflag:s8], $0x0  }
0x24: {  	s3 =	sadd.s32 $0x88, s3;
	s6 =	simm.s32 @!p1 $0x1082;
	[sflag:s4] =	ssyncset.s32 $0xFFFFF086  }
0x25: {  	[simem:s6], [sflag:s4] =	dma.local [hbm:s3], $0xF7A  }
0x26: {  	[smem:$0x3F9F] =	sst s1;
	(tag) =	ssettag s2;
	_ =	strace s9  }
0x27: {  	s1 =	sld [smem:$0x3FAF]  }
0x28: {  	s2 =	sld [smem:$0x3FB0]  }
0x29: {  	s4 =	sld [smem:$0x3FB2]  }
0x2a: {  	p0 =	seq.s32 s5, $0x0;
	s5 =	sld [smem:$0x3FB3]  }
0x2b: {  	s6 =	sld [smem:$0x3FB4]  }
0x2c: {  	s7 =	sld [smem:$0x3FB5]  }
0x2d: {  	s3 =	simm.s32 $0x108;
	s8 =	sld [smem:$0x3FB6]  }
0x2e: {  	s3 =	simm.s32 @!p0 $0x1082;
	s9 =	sld [smem:$0x3FB7]  }
0x2f: {  	lr =	sadd.s32 s0, s3;
	s0 =	sld [smem:$0x3FAE]  }
0x30: {  	s3 =	sld [smem:$0x3FB1]  }
0x31: {  	[smem:$0x3FBA] =	sst s10  }
0x32: {  	s10 =	sld [smem:$0x3FB8];
	_ =	sdelay $0x3  }
0x33: {  	p0 =	seq.s32 s10, $0x1;
	s10 =	sld [smem:$0x3FBA];
	_ =	sdelay $0x3  }
0x34: {  	[smem:$0x3FBA] =	sst s10  }
0x35: {  	s10 =	sld [smem:$0x3FB9];
	_ =	sdelay $0x3  }
0x36: {  	p1 =	seq.s32 s10, $0x1;
	s10 =	sld [smem:$0x3FBA];
	_ =	sdelay $0x3  }
0x37: {  	[smem:$0x3FBA] =	sst s10  }
0x38: {  	s10 =	sld [smem:$0x3FBB]  }
0x39: {  	_ = 	snop;
	(pc) =	sbr.ind lr, $3  }
0x3a: {  	_ = 	snop  }
0x3b: {  	_ = 	snop  }
0x3c: {  	p2 =	seq.s32 s10, $0x1;
	s10 =	sld [smem:$0x3FBA]  }
0x3d: {  	_ =	shalt  }
0x3e: {  	_ =	shalt  }
0x3f: {  	_ =	shalt  }
0x40: {  	_ =	shalt  }
0x41: {  	_ =	shalt  }
0x42: {  	_ =	shalt  }
0x43: {  	_ =	shalt  }
0x44: {  	_ =	shalt  }
0x45: {  	_ =	shalt  }
0x46: {  	_ =	shalt  }
0x47: {  	_ =	shalt  }
0x48: {  	_ =	shalt  }
0x49: {  	_ =	shalt  }
0x4a: {  	_ =	shalt  }
0x4b: {  	_ =	shalt  }
0x4c: {  	_ =	shalt  }
0x4d: {  	_ =	shalt  }
0x4e: {  	_ =	shalt  }
0x4f: {  	_ =	shalt  }
0x50: {  	_ =	shalt  }
0x51: {  	_ =	shalt  }
0x52: {  	_ =	shalt  }
0x53: {  	_ =	shalt  }
0x54: {  	_ =	shalt  }
0x55: {  	_ =	shalt  }
0x56: {  	_ =	shalt  }
0x57: {  	_ =	shalt  }
0x58: {  	_ =	shalt  }
0x59: {  	_ =	shalt  }
0x5a: {  	_ =	shalt  }
0x5b: {  	_ =	shalt  }
0x5c: {  	_ =	shalt  }
0x5d: {  	_ =	shalt  }
0x5e: {  	_ =	shalt  }
0x5f: {  	_ =	shalt  }
0x60: {  	_ =	shalt  }
0x61: {  	_ =	shalt  }
0x62: {  	_ =	shalt  }
0x63: {  	_ =	shalt  }
0x64: {  	_ =	shalt  }
0x65: {  	_ =	shalt  }
0x66: {  	_ =	shalt  }
0x67: {  	_ =	shalt  }
0x68: {  	_ =	shalt  }
0x69: {  	_ =	shalt  }
0x6a: {  	_ =	shalt  }
0x6b: {  	_ =	shalt  }
0x6c: {  	_ =	shalt  }
0x6d: {  	_ =	shalt  }
0x6e: {  	_ =	shalt  }
0x6f: {  	_ =	shalt  }
0x70: {  	_ =	shalt  }
0x71: {  	_ =	shalt  }
0x72: {  	_ =	shalt  }
0x73: {  	_ =	shalt  }
0x74: {  	_ =	shalt  }
0x75: {  	_ =	shalt  }
0x76: {  	_ =	shalt  }
0x77: {  	_ =	shalt  }
0x78: {  	_ =	shalt  }
0x79: {  	_ =	shalt  }
0x7a: {  	_ =	shalt  }
0x7b: {  	_ =	shalt  }
0x7c: {  	_ =	shalt  }
0x7d: {  	_ =	shalt  }
0x7e: {  	_ =	shalt  }
0x7f: {  	_ =	shalt  }
0x80: {  	_ =	shalt  }
0x81: {  	_ =	shalt  }
0x82: {  	_ =	shalt  }
0x83: {  	_ =	shalt  }
0x84: {  	_ =	shalt  }
0x85: {  	_ =	shalt  }
0x86: {  	_ =	shalt  }
0x87: {  	_ =	shalt  }
.Lfunc_end0:
.L_simem_size_0:
called_computation.1_lowered:
.L_overlay_start_0:
0x88: {  	s2 =	sld [smem:$0x3FD9]  }
0x89: {  	s3 =	sld [smem:$0x3FFE];
	_ =	sdelay $0x1  }
0x8a: {  	s1 =	srdreg.scid  }
0x8b: {  	s0 =	sand.u32 $0x1, s1  }
0x8c: {  	s17 =	sshll.u32 s0, $0xA;
	s2 =	sadd.s32 s3, s2  }
0x8d: {  	s2 =	sadd.s32 s2, s17  }
0x8e: {  	[smem:$0x3FC6] =	sst s2  }
0x8f: {  	_ = 	snop  }
0x90: {  	s2 =	sld [smem:$0x3FD0];
	(tm) =	ssettm $0x1  }
0x91: {  	s18 =	sld [smem:$0x3FFB];
	_ =	sdelay $0x3  }
0x92: {  	_ =	strace s18  }
0x93: {  	s3 =	sld [smem:$0x3FFC];
	_ =	sdelay $0x3  }
0x94: {  	_ =	strace s3  }
0x95: {  	s3 =	sld [smem:$0x3FFD];
	_ =	sdelay $0x3  }
0x96: {  	_ =	strace s3  }
0x97: {  	_ =	strace $0x8FFFFFFF  }
0x98: {  	s19 =	sld [smem:$0x3FDB];
	_ =	sdelay $0x1  }
0x99: {  	s4 =	simm.s32 $_scs_section_size  }
0x9a: {  	s5 =	simm.s32 $_size__tile_overlayer_lowered;
	s6 =	simm.s32 $_tile_overlayer_lowered  }
0x9b: {  	s22 =	simm.s32 $0x1BFF;
	s21 =	sshll.u32 s6, $0x1;
	s3 =	sadd.s32 s4, s19  }
0x9c: {  	s7 =	simm.s32 $0x0;
	s20 =	sshll.u32 s5, $0x1;
	s5 =	sadd.s32 s21, s3  }
0x9d: {  	[timem:s7], [sflag:s22] =	dma.local [hbm:s5], s20  }
0x9e: {  	_ =	swait.ge [sflag:s22], s20  }
0x9f: {  	s4 =	ssub.s32 $0x0, s20;
	[sflag:s22] =	ssyncset.done $0x0  }
0xa0: {  	[sflag:s22] =	ssyncadd.s32 s4;
	_ =	sdelay $0x1  }
0xa1: {  	s23 =	simm.s32 $0x1B8B  }
0xa2: {  	_ =	swait.ge [sflag:s23], $0x1  }
0xa3: {  	[sflag:s23] =	ssyncset.done $0x0  }
0xa4: {  	s25 =	simm.s32 $0x1B8E;
	s24 =	sld [smem:$0x3FFE];
	[sflag:s23] =	ssyncadd.s32 $0xFFFFFFFF  }
0xa5: {  	s26 =	simm.s32 $execute0_lowered;
	[smem:$0x3FD2] =	sst s25  }
0xa6: {  	s5 =	sshll.u32 s26, $0x1;
	_ =	strace $0x80000046;
	[dreg:$0x1] =	wrdreg $0xFFFFFFFF  }
0xa7: {  	s28 =	simm.s32 $_size_execute0_lowered;
	s3 =	sadd.s32 s3, s5;
	[dreg:$0x0] =	wrdreg $0x0  }
0xa8: {  	s5 =	sshll.u32 s28, $0x1;
	[dreg:$0x2] =	wrdreg s3  }
0xa9: {  	[dreg:$0x3] =	wrdreg s5  }
0xaa: {  	[dreg:$0x4] =	wrdreg $0xC0  }
0xab: {  	_ =	task [dreg:s7], $0x5FFFF  }
0xac: {  	[dreg:$0x1] =	wrdreg $0xFFFFFFFF  }
0xad: {  	[dreg:$0x0] =	wrdreg $0x60  }
0xae: {  	[dreg:$0x2] =	wrdreg s24  }
0xaf: {  	[dreg:$0x3] =	wrdreg s2  }
0xb0: {  	[dreg:$0x4] =	wrdreg $0x9  }
0xb1: {  	_ =	task.clear_ibuf [dreg:s7], $0x5FFFF;
	_ =	strace $0x90000046  }
0xb2: {  	s29 =	simm.s32 $0x9;
	_ =	strace $0x80000048  }
0xb3: {  	_ =	swait.ge [sflag:s29], $0x1  }
0xb4: {  	[sflag:s29] =	ssyncadd.s32 $0xFFFFFFFF  }
0xb5: {  	_ =	strace $0x90000048  }
0xb6: {  	_ =	sfence  }
0xb7: {  	s30 =	sld [smem:$0x0];
	_ =	sdelay $0x2  }
0xb8: {  	s31 =	sshll.u32 s1, $0xD;
	s1 =	sshrl.u32 s1, $0x2  }
0xb9: {  	s3 =	sand.u32 $0x4000, s31;
	s1 =	sadd.s32 s1, s30  }
0xba: {  	s0 =	sor.u32 s3, s0;
	s1 =	sshll.u32 s1, $0x11  }
0xbb: {  	s0 =	sor.u32 s1, s0  }
0xbc: {  	s0 =	sadd.s32 $0x8F2B, s0  }
0xbd: {  	[sflag:s0] =	ssyncadd.remote.s32 $0x1  }
0xbe: {  	_ =	sfence.sel $0xFFFF  }
0xbf: {  	[dreg:$0x0] =	wrdreg $0xFFFFFFFF;
	(pc) =	sbr.abs _section_cstart, $3  }
0xc0: {  	[dreg:$0x1] =	wrdreg $0xFFFFFFFF  }
0xc1: {  	_ =	task.clear_ibuf [dreg:s7], $0x2FFFF;
	_ =	strace $0x9FFFFFFF  }
0xc2: {  	(tm) =	ssettm $0x7FFFFFFF  }
0xc3: {  	_ =	shalt  }
tec
execute0_lowered:
.L_overlay_start_1:
0x0: {  	(tag) =	ssettag $0x1  }
0x1: {  	s0 =	srdreg.scid;
	s1 =	rddreg [dreg:$0x0]  }
0x2: {  	s10 =	stileid.u32;
	s8 =	rddreg [dreg:$0x1];
	s11 =	simm.s32 $0x80  }
0x3: {  	s12 =	simm.s32 $0x6400;
	s13 =	simm.s32 $0x8400;
	s15 =	simm.s32 $0xA400  }
0x4: {  	s17 =	simm.s32 $0xC400;
	s19 =	simm.s32 $0xE400;
	s21 =	simm.s32 $0x10400  }
0x5: {  	s28 =	simm.s32 $0x16400;
	s29 =	simm.s32 $0x480;
	s30 =	simm.s32 $0x18400  }
0x6: {  	s31 =	simm.s32 $0x1;
	s14 =	simm.s32 $0x4;
	s7 =	smul.u32 $0x190, s10  }
0x7: {  	s0 =	sand.u32 $0x1, s0;
	s2 =	sshll.u32 s10, $0x1;
	s24 =	smul.u32 $0x64000, s10  }
0x8: {  	s16 =	simm.s32 $0x0;
	s3 =	sor.u32 s0, s2;
	s9 =	smul.u32 $0xC8, s0  }
0x9: {  	s2 =	simm.s32 $0x0;
	s5 =	ssub.s32 $0x2, s0;
	s0 =	smul.u32 $0x32000, s0  }
0xa: {  	s10 =	simm.s32 $0x5;
	s4 =	smul.u32 $0xC80, s3;
	[smem:$0x7FF] =	sst s2  }
0xb: {  	s6 =	smul.u32 $0x32000, s3;
	s22 =	sshrl.u32 s5, $0x1;
	s3 =	sadd.s32 $0xF42E00, s1  }
0xc: {  	_ =	strace $0x80000047;
	s5 =	ssub.s32 s5, s22;
	s7 =	sadd.s32 s9, s7  }
0xd: {  	s9 =	sadd.s32 s24, s8;
	s4 =	sadd.s32 s4, s1;
	s5 =	smax.u32 s5, $0x1  }
0xe: {  	s23 =	sadd.s32 s8, s6;
	s25 =	sshll.u32 s7, $0xA;
	s9 =	sadd.s32 s0, s9  }
0xf: {  	s1 =	simm.s32 $0x3;
	s0 =	simm.s32 $0x2;
	s4 =	sadd.s32 $0xA00, s4  }
0x10: {  	s6 =	sadd.s32 $0x2F800, s23;
	s7 =	sadd.s32 $0x30C00, s23;
	s26 =	sadd.s32 s25, s8  }
0x11: {  	s23 =	simm.s32 $0x12400;
	s25 =	simm.s32 $0x14400;
	s8 =	sadd.s32 $0x1400, s26  }
.LBB2_1:
0x12: {  	[tilespmem:s2], [sflag:$0x5] =	stream.linear.gather [hbm4b:s4+s2], $0x6400, $0x38;
	[tilespmem:$0x1A400] =	vst v63  }
0x13: {  	_ =	swait.ge [sflag:s10], $0x6400  }
0x14: {  	[sflag:s10] =	ssyncset.done $0x0  }
0x15: {  	[sflag:s10] =	ssyncadd.s32 $0xFFFF9C00  }
0x16: {  	[tilespmem:s12], [sflag:$0x1] =	stream.indirect.gather [hbm4b:s3+s11], $0x40, s2, s11, $0xb8;
	[tilespmem:$0x1A400] =	vst v63  }
0x17: {  	_ = 	snop  }
0x18: {  	[tilespmem:s13], [sflag:$0x1] =	stream.indirect.gather [hbm4b:s3+s11], $0x40, s11, s11, $0xb8;
	[tilespmem:$0x1A400] =	vst v63  }
0x19: {  	s18 =	simm.s32 $0x100  }
0x1a: {  	[tilespmem:s15], [sflag:$0x1] =	stream.indirect.gather [hbm4b:s3+s11], $0x40, s18, s11, $0xb8;
	[tilespmem:$0x1A400] =	vst v63  }
0x1b: {  	s22 =	simm.s32 $0x180  }
0x1c: {  	[tilespmem:s17], [sflag:$0x1] =	stream.indirect.gather [hbm4b:s3+s11], $0x40, s22, s11, $0xb8;
	[tilespmem:$0x1A400] =	vst v63  }
0x1d: {  	s24 =	simm.s32 $0x200  }
0x1e: {  	[tilespmem:s19], [sflag:$0x1] =	stream.indirect.gather [hbm4b:s3+s11], $0x40, s24, s11, $0xb8;
	[tilespmem:$0x1A400] =	vst v63  }
0x1f: {  	s26 =	simm.s32 $0x280  }
0x20: {  	[tilespmem:s21], [sflag:$0x2] =	stream.indirect.gather [hbm4b:s3+s11], $0x40, s26, s11, $0xb8;
	[tilespmem:$0x1A400] =	vst v63  }
0x21: {  	s20 =	simm.s32 $0x300  }
0x22: {  	[tilespmem:s23], [sflag:$0x2] =	stream.indirect.gather [hbm4b:s3+s11], $0x40, s20, s11, $0xb8;
	[tilespmem:$0x1A400] =	vst v63  }
0x23: {  	s22 =	simm.s32 $0x380  }
0x24: {  	[tilespmem:s25], [sflag:$0x2] =	stream.indirect.gather [hbm4b:s3+s11], $0x40, s22, s11, $0xb8;
	[tilespmem:$0x1A400] =	vst v63  }
0x25: {  	s24 =	simm.s32 $0x400  }
0x26: {  	[tilespmem:s28], [sflag:$0x2] =	stream.indirect.gather [hbm4b:s3+s11], $0x40, s24, s11, $0xb8;
	[tilespmem:$0x1A400] =	vst v63  }
0x27: {  	_ = 	snop  }
0x28: {  	[tilespmem:s30], [sflag:$0x2] =	stream.indirect.gather [hbm4b:s3+s11], $0x40, s29, s11, $0xb8;
	[tilespmem:$0x1A400] =	vst v63  }
0x29: {  	_ =	swait.ge [sflag:s31], $0x2000  }
0x2a: {  	[sflag:s31] =	ssyncset.done $0x0  }
0x2b: {  	[sflag:s31] =	ssyncadd.s32 $0xFFFFE000  }
0x2c: {  	_ =	swait.ge [sflag:s31], $0x2000  }
0x2d: {  	[sflag:s31] =	ssyncset.done $0x0  }
0x2e: {  	[sflag:s31] =	ssyncadd.s32 $0xFFFFE000  }
0x2f: {  	_ =	swait.ge [sflag:s31], $0x2000  }
0x30: {  	[sflag:s31] =	ssyncset.done $0x0  }
0x31: {  	[sflag:s31] =	ssyncadd.s32 $0xFFFFE000  }
0x32: {  	_ =	swait.ge [sflag:s31], $0x2000  }
0x33: {  	[sflag:s31] =	ssyncset.done $0x0  }
0x34: {  	[sflag:s31] =	ssyncadd.s32 $0xFFFFE000  }
0x35: {  	_ =	swait.ge [sflag:s31], $0x2000  }
0x36: {  	[sflag:s31] =	ssyncset.done $0x0  }
0x37: {  	[sflag:s31] =	ssyncadd.s32 $0xFFFFE000  }
0x38: {  	[hbm4b:s9+s2] =	stream.linear.scatter [tilespmem:s12], [sflag:$0x3], $0xA000, $0x38;
	[tilespmem:$0x1A400] =	vst v63  }
0x39: {  	_ =	swait.ge [sflag:s1], $0xA000  }
0x3a: {  	[sflag:s1] =	ssyncset.done $0x0  }
0x3b: {  	s26 =	simm.s32 $0x500;
	[sflag:s1] =	ssyncadd.s32 $0xFFFF6000  }
0x3c: {  	[tilespmem:s12], [sflag:$0x1] =	stream.indirect.gather [hbm4b:s3+s11], $0x40, s26, s11, $0xb8;
	[tilespmem:$0x1A400] =	vst v63  }
0x3d: {  	s20 =	simm.s32 $0x580  }
0x3e: {  	[tilespmem:s13], [sflag:$0x1] =	stream.indirect.gather [hbm4b:s3+s11], $0x40, s20, s11, $0xb8;
	[tilespmem:$0x1A400] =	vst v63  }
0x3f: {  	s22 =	simm.s32 $0x600  }
0x40: {  	[tilespmem:s15], [sflag:$0x1] =	stream.indirect.gather [hbm4b:s3+s11], $0x40, s22, s11, $0xb8;
	[tilespmem:$0x1A400] =	vst v63  }
0x41: {  	s24 =	simm.s32 $0x680  }
0x42: {  	[tilespmem:s17], [sflag:$0x1] =	stream.indirect.gather [hbm4b:s3+s11], $0x40, s24, s11, $0xb8;
	[tilespmem:$0x1A400] =	vst v63  }
0x43: {  	s26 =	simm.s32 $0x700  }
0x44: {  	[tilespmem:s19], [sflag:$0x1] =	stream.indirect.gather [hbm4b:s3+s11], $0x40, s26, s11, $0xb8;
	[tilespmem:$0x1A400] =	vst v63  }
0x45: {  	_ =	swait.ge [sflag:s0], $0x2000  }
0x46: {  	[sflag:s0] =	ssyncset.done $0x0  }
0x47: {  	[sflag:s0] =	ssyncadd.s32 $0xFFFFE000  }
0x48: {  	_ =	swait.ge [sflag:s0], $0x2000  }
0x49: {  	[sflag:s0] =	ssyncset.done $0x0  }
0x4a: {  	[sflag:s0] =	ssyncadd.s32 $0xFFFFE000  }
0x4b: {  	_ =	swait.ge [sflag:s0], $0x2000  }
0x4c: {  	[sflag:s0] =	ssyncset.done $0x0  }
0x4d: {  	[sflag:s0] =	ssyncadd.s32 $0xFFFFE000  }
0x4e: {  	_ =	swait.ge [sflag:s0], $0x2000  }
0x4f: {  	[sflag:s0] =	ssyncset.done $0x0  }
0x50: {  	[sflag:s0] =	ssyncadd.s32 $0xFFFFE000  }
0x51: {  	_ =	swait.ge [sflag:s0], $0x2000  }
0x52: {  	[sflag:s0] =	ssyncset.done $0x0  }
0x53: {  	[sflag:s0] =	ssyncadd.s32 $0xFFFFE000  }
0x54: {  	[hbm4b:s8+s2] =	stream.linear.scatter [tilespmem:s21], [sflag:$0x4], $0xA000, $0x38;
	[tilespmem:$0x1A400] =	vst v63  }
0x55: {  	_ =	swait.ge [sflag:s14], $0xA000  }
0x56: {  	[sflag:s14] =	ssyncset.done $0x0  }
0x57: {  	s20 =	simm.s32 $0x780;
	[sflag:s14] =	ssyncadd.s32 $0xFFFF6000  }
0x58: {  	[tilespmem:s21], [sflag:$0x2] =	stream.indirect.gather [hbm4b:s3+s11], $0x40, s20, s11, $0xb8;
	[tilespmem:$0x1A400] =	vst v63  }
0x59: {  	s22 =	simm.s32 $0x800  }
0x5a: {  	[tilespmem:s23], [sflag:$0x2] =	stream.indirect.gather [hbm4b:s3+s11], $0x40, s22, s11, $0xb8;
	[tilespmem:$0x1A400] =	vst v63  }
0x5b: {  	s18 =	simm.s32 $0x1400;
	s24 =	simm.s32 $0x880;
	s26 =	simm.s32 $0x900  }
0x5c: {  	[tilespmem:s25], [sflag:$0x2] =	stream.indirect.gather [hbm4b:s3+s11], $0x40, s24, s11, $0xb8;
	[tilespmem:$0x1A400] =	vst v63  }
0x5d: {  	s20 =	sadd.s32 $0x2800, s8;
	s22 =	sadd.s32 $0x2800, s9;
	s24 =	simm.s32 $0x980  }
0x5e: {  	[tilespmem:s28], [sflag:$0x2] =	stream.indirect.gather [hbm4b:s3+s11], $0x40, s26, s11, $0xb8;
	[tilespmem:$0x1A400] =	vst v63  }
.LBB2_2:
0x5f: {  	[tilespmem:s30], [sflag:$0x2] =	stream.indirect.gather [hbm4b:s3+s11], $0x40, s24, s11, $0xb8;
	[tilespmem:$0x1A400] =	vst v63  }
0x60: {  	s24 =	smov.u32 s18  }
0x61: {  	p0 =	sne.s32 s18, $0x16800;
	s18 =	sadd.s32 $0x1400, s18;
	_ =	swait.ge [sflag:s31], $0x2000  }
0x62: {  	[sflag:s31] =	ssyncset.done $0x0  }
0x63: {  	[sflag:s31] =	ssyncadd.s32 $0xFFFFE000  }
0x64: {  	_ =	swait.ge [sflag:s31], $0x2000  }
0x65: {  	[sflag:s31] =	ssyncset.done $0x0  }
0x66: {  	[sflag:s31] =	ssyncadd.s32 $0xFFFFE000  }
0x67: {  	_ =	swait.ge [sflag:s31], $0x2000  }
0x68: {  	[sflag:s31] =	ssyncset.done $0x0  }
0x69: {  	[sflag:s31] =	ssyncadd.s32 $0xFFFFE000  }
0x6a: {  	_ =	swait.ge [sflag:s31], $0x2000  }
0x6b: {  	[sflag:s31] =	ssyncset.done $0x0  }
0x6c: {  	[sflag:s31] =	ssyncadd.s32 $0xFFFFE000  }
0x6d: {  	_ =	swait.ge [sflag:s31], $0x2000  }
0x6e: {  	[sflag:s31] =	ssyncset.done $0x0  }
0x6f: {  	[sflag:s31] =	ssyncadd.s32 $0xFFFFE000  }
0x70: {  	[hbm4b:s22+s2] =	stream.linear.scatter [tilespmem:s12], [sflag:$0x3], $0xA000, $0x38;
	[tilespmem:$0x1A400] =	vst v63  }
0x71: {  	_ =	swait.ge [sflag:s1], $0xA000  }
0x72: {  	s24 =	sshra.s32 s24, $0x2;
	[sflag:s1] =	ssyncset.done $0x0  }
0x73: {  	s26 =	sadd.s32 $0x500, s24;
	[sflag:s1] =	ssyncadd.s32 $0xFFFF6000  }
0x74: {  	[tilespmem:s12], [sflag:$0x1] =	stream.indirect.gather [hbm4b:s3+s11], $0x40, s26, s11, $0xb8;
	[tilespmem:$0x1A400] =	vst v63  }
0x75: {  	s26 =	sadd.s32 $0x580, s24  }
0x76: {  	[tilespmem:s13], [sflag:$0x1] =	stream.indirect.gather [hbm4b:s3+s11], $0x40, s26, s11, $0xb8;
	[tilespmem:$0x1A400] =	vst v63  }
0x77: {  	s26 =	sadd.s32 $0x600, s24  }
0x78: {  	[tilespmem:s15], [sflag:$0x1] =	stream.indirect.gather [hbm4b:s3+s11], $0x40, s26, s11, $0xb8;
	[tilespmem:$0x1A400] =	vst v63  }
0x79: {  	s26 =	sadd.s32 $0x680, s24  }
0x7a: {  	[tilespmem:s17], [sflag:$0x1] =	stream.indirect.gather [hbm4b:s3+s11], $0x40, s26, s11, $0xb8;
	[tilespmem:$0x1A400] =	vst v63  }
0x7b: {  	s26 =	sadd.s32 $0x700, s24  }
0x7c: {  	[tilespmem:s19], [sflag:$0x1] =	stream.indirect.gather [hbm4b:s3+s11], $0x40, s26, s11, $0xb8;
	[tilespmem:$0x1A400] =	vst v63  }
0x7d: {  	_ =	swait.ge [sflag:s0], $0x2000  }
0x7e: {  	[sflag:s0] =	ssyncset.done $0x0  }
0x7f: {  	[sflag:s0] =	ssyncadd.s32 $0xFFFFE000  }
0x80: {  	_ =	swait.ge [sflag:s0], $0x2000  }
0x81: {  	[sflag:s0] =	ssyncset.done $0x0  }
0x82: {  	[sflag:s0] =	ssyncadd.s32 $0xFFFFE000  }
0x83: {  	_ =	swait.ge [sflag:s0], $0x2000  }
0x84: {  	[sflag:s0] =	ssyncset.done $0x0  }
0x85: {  	[sflag:s0] =	ssyncadd.s32 $0xFFFFE000  }
0x86: {  	_ =	swait.ge [sflag:s0], $0x2000  }
0x87: {  	[sflag:s0] =	ssyncset.done $0x0  }
0x88: {  	[sflag:s0] =	ssyncadd.s32 $0xFFFFE000  }
0x89: {  	_ =	swait.ge [sflag:s0], $0x2000  }
0x8a: {  	[sflag:s0] =	ssyncset.done $0x0  }
0x8b: {  	[sflag:s0] =	ssyncadd.s32 $0xFFFFE000  }
0x8c: {  	[hbm4b:s20+s2] =	stream.linear.scatter [tilespmem:s21], [sflag:$0x4], $0xA000, $0x38;
	[tilespmem:$0x1A400] =	vst v63  }
0x8d: {  	_ =	swait.ge [sflag:s14], $0xA000  }
0x8e: {  	[sflag:s14] =	ssyncset.done $0x0  }
0x8f: {  	s26 =	sadd.s32 $0x780, s24;
	[sflag:s14] =	ssyncadd.s32 $0xFFFF6000  }
0x90: {  	[tilespmem:s21], [sflag:$0x2] =	stream.indirect.gather [hbm4b:s3+s11], $0x40, s26, s11, $0xb8;
	[tilespmem:$0x1A400] =	vst v63  }
0x91: {  	s26 =	sadd.s32 $0x800, s24  }
0x92: {  	[tilespmem:s23], [sflag:$0x2] =	stream.indirect.gather [hbm4b:s3+s11], $0x40, s26, s11, $0xb8;
	[tilespmem:$0x1A400] =	vst v63  }
.Ltmp0:
0x93: {  	s26 =	sadd.s32 $0x880, s24;
	(pc) =	sbr.rel @p0 .LBB2_2-.Ltmp0, $4  }
0x94: {  	[tilespmem:s25], [sflag:$0x2] =	stream.indirect.gather [hbm4b:s3+s11], $0x40, s26, s11, $0xb8;
	[tilespmem:$0x1A400] =	vst v63  }
0x95: {  	s26 =	sadd.s32 $0x900, s24  }
0x96: {  	[tilespmem:s28], [sflag:$0x2] =	stream.indirect.gather [hbm4b:s3+s11], $0x40, s26, s11, $0xb8;
	[tilespmem:$0x1A400] =	vst v63  }
0x97: {  	s22 =	sadd.s32 $0x2800, s22;
	s20 =	sadd.s32 $0x2800, s20;
	s24 =	sadd.s32 $0x980, s24  }
0x98: {  	[tilespmem:s30], [sflag:$0x2] =	stream.indirect.gather [hbm4b:s3+s11], $0x40, s24, s11, $0xb8;
	[tilespmem:$0x1A400] =	vst v63  }
0x99: {  	_ =	swait.ge [sflag:s31], $0x2000  }
0x9a: {  	[sflag:s31] =	ssyncset.done $0x0  }
0x9b: {  	[sflag:s31] =	ssyncadd.s32 $0xFFFFE000  }
0x9c: {  	_ =	swait.ge [sflag:s31], $0x2000  }
0x9d: {  	[sflag:s31] =	ssyncset.done $0x0  }
0x9e: {  	[sflag:s31] =	ssyncadd.s32 $0xFFFFE000  }
0x9f: {  	_ =	swait.ge [sflag:s31], $0x2000  }
0xa0: {  	[sflag:s31] =	ssyncset.done $0x0  }
0xa1: {  	[sflag:s31] =	ssyncadd.s32 $0xFFFFE000  }
0xa2: {  	_ =	swait.ge [sflag:s31], $0x2000  }
0xa3: {  	[sflag:s31] =	ssyncset.done $0x0  }
0xa4: {  	[sflag:s31] =	ssyncadd.s32 $0xFFFFE000  }
0xa5: {  	_ =	swait.ge [sflag:s31], $0x2000  }
0xa6: {  	[sflag:s31] =	ssyncset.done $0x0  }
0xa7: {  	[sflag:s31] =	ssyncadd.s32 $0xFFFFE000  }
0xa8: {  	[hbm4b:s6+s2] =	stream.linear.scatter [tilespmem:s12], [sflag:$0x3], $0xA000, $0x38;
	[tilespmem:$0x1A400] =	vst v63  }
0xa9: {  	_ =	swait.ge [sflag:s0], $0x2000  }
0xaa: {  	[sflag:s0] =	ssyncset.done $0x0  }
0xab: {  	[sflag:s0] =	ssyncadd.s32 $0xFFFFE000  }
0xac: {  	_ =	swait.ge [sflag:s0], $0x2000  }
0xad: {  	[sflag:s0] =	ssyncset.done $0x0  }
0xae: {  	[sflag:s0] =	ssyncadd.s32 $0xFFFFE000  }
0xaf: {  	_ =	swait.ge [sflag:s0], $0x2000  }
0xb0: {  	[sflag:s0] =	ssyncset.done $0x0  }
0xb1: {  	[sflag:s0] =	ssyncadd.s32 $0xFFFFE000  }
0xb2: {  	_ =	swait.ge [sflag:s0], $0x2000  }
0xb3: {  	[sflag:s0] =	ssyncset.done $0x0  }
0xb4: {  	[sflag:s0] =	ssyncadd.s32 $0xFFFFE000  }
0xb5: {  	_ =	swait.ge [sflag:s0], $0x2000  }
0xb6: {  	[sflag:s0] =	ssyncset.done $0x0  }
0xb7: {  	s16 =	sadd.s32 $0x1, s16;
	[sflag:s0] =	ssyncadd.s32 $0xFFFFE000  }
0xb8: {  	[hbm4b:s7+s2] =	stream.linear.scatter [tilespmem:s21], [sflag:$0x4], $0xA000, $0x38;
	[tilespmem:$0x1A400] =	vst v63  }
0xb9: {  	p0 =	sne.s32 s16, s5;
	_ =	swait.ge [sflag:s1], $0xA000  }
.Ltmp1:
0xba: {  	[sflag:s1] =	ssyncset.done $0x0;
	(pc) =	sbr.rel @p0 .LBB2_1-.Ltmp1, $4  }
0xbb: {  	[sflag:s1] =	ssyncadd.s32 $0xFFFF6000  }
0xbc: {  	_ =	swait.ge [sflag:s14], $0xA000  }
0xbd: {  	[sflag:s14] =	ssyncset.done $0x0  }
0xbe: {  	[sflag:s14] =	ssyncadd.s32 $0xFFFF6000  }
0xbf: {  	_ =	sfence.sel $0x180000  }
0xc0: {  	[bflag:$0x0] =	sbarrier.arrive $0xFFFF  }
0xc1: {  	_ =	strace $0x90000047  }
0xc2: {  	s0 =	stileid.u32;
	[bflag:$0x2] =	sbarrier.arrive $0xFFFF  }
0xc3: {  	p0 =	sne.s32 s0, $0x0;
	s0 =	rddreg [dreg:$0x2]  }
0xc4: {  	s0 =	sadd.s32 @!p0 $0x100000, s0  }
0xc5: {  	[sflag:s0] =	ssyncadd.tile.s32 @!p0 $0x1;
	_ =	shalt  }
.Lfunc_end2:
_tile_overlayer_lowered:
.L_overlay_start_2:
0xc6: {  	(tag) =	ssettag $0x2  }
0xc7: {  	s0 =	rddreg [dreg:$0x0];
	s2 =	stileid.u32  }
0xc8: {  	s1 =	rddreg [dreg:$0x1];
	p0 =	sne.s32 s2, $0x0  }
0xc9: {  	s3 =	rddreg [dreg:$0x2];
	[bflag:$0x3] =	sbarrier.arrive $0xFFFF;
	s2 =	simm.s32 @!p0 $0x1C05  }
0xca: {  	[timem:s3], [sflag:s2] =	dma.local @!p0 [hbm:s0], s1  }
0xcb: {  	s0 =	simm.s32 @!p0 $0x5  }
0xcc: {  	_ =	swait.ge @!p0 [sflag:s0], s1  }
0xcd: {  	s1 =	ssub.s32 @!p0 $0x0, s1;
	[sflag:s0] =	ssyncset.done @!p0 $0x0  }
0xce: {  	[sflag:s0] =	ssyncadd.s32 @!p0 s1  }
0xcf: {  	[bflag:$0x3] =	sbarrier.arrive $0xFFFF  }
0xd0: {  	_ =	shalt  }

// kernel: sparse-core-data-format-call.cloned.1.call-start
scs
called_computation_lowered:
.L_overlay_start_0:
0x0: {  	s2 =	sld [smem:$0x3FD9]  }
0x1: {  	s3 =	sld [smem:$0x3FFE];
	_ =	sdelay $0x1  }
0x2: {  	s1 =	srdreg.scid  }
0x3: {  	s0 =	sand.u32 $0x1, s1  }
0x4: {  	s18 =	sshll.u32 s0, $0xA;
	s2 =	sadd.s32 s3, s2  }
0x5: {  	s2 =	sadd.s32 s2, s18  }
0x6: {  	[smem:$0x3FC6] =	sst s2  }
0x7: {  	_ = 	snop  }
0x8: {  	s2 =	sld [smem:$0x3FD0];
	(tm) =	ssettm $0x1  }
0x9: {  	s19 =	sld [smem:$0x3FFB];
	_ =	sdelay $0x3  }
0xa: {  	_ =	strace s19  }
0xb: {  	s3 =	sld [smem:$0x3FFC];
	_ =	sdelay $0x3  }
0xc: {  	_ =	strace s3  }
0xd: {  	s3 =	sld [smem:$0x3FFD];
	_ =	sdelay $0x3  }
0xe: {  	_ =	strace s3  }
0xf: {  	_ =	strace $0x8FFFFFFF  }
0x10: {  	s20 =	sld [smem:$0x3FDB];
	_ =	sdelay $0x1  }
0x11: {  	s4 =	simm.s32 $_scs_section_size  }
0x12: {  	s5 =	simm.s32 $_size__tile_overlayer_lowered;
	s6 =	simm.s32 $_tile_overlayer_lowered  }
0x13: {  	s23 =	simm.s32 $0x1BFF;
	s22 =	sshll.u32 s6, $0x1;
	s3 =	sadd.s32 s4, s20  }
0x14: {  	s7 =	simm.s32 $0x0;
	s21 =	sshll.u32 s5, $0x1;
	s5 =	sadd.s32 s22, s3  }
0x15: {  	[timem:s7], [sflag:s23] =	dma.local [hbm:s5], s21  }
0x16: {  	_ =	swait.ge [sflag:s23], s21  }
0x17: {  	s4 =	ssub.s32 $0x0, s21;
	[sflag:s23] =	ssyncset.done $0x0  }
0x18: {  	[sflag:s23] =	ssyncadd.s32 s4;
	_ =	sdelay $0x1  }
0x19: {  	s24 =	simm.s32 $0x1B8B  }
0x1a: {  	_ =	swait.ge [sflag:s24], $0x1  }
0x1b: {  	[sflag:s24] =	ssyncset.done $0x0  }
0x1c: {  	s26 =	simm.s32 $0x1B8E;
	s25 =	sld [smem:$0x3FFE];
	[sflag:s24] =	ssyncadd.s32 $0xFFFFFFFF  }
0x1d: {  	s27 =	simm.s32 $execute0_lowered;
	[smem:$0x3FD2] =	sst s26  }
0x1e: {  	s5 =	sshll.u32 s27, $0x1;
	_ =	strace $0x80000049;
	[dreg:$0x1] =	wrdreg $0xFFFFFFFF  }
0x1f: {  	s28 =	simm.s32 $_size_execute0_lowered;
	s3 =	sadd.s32 s3, s5;
	[dreg:$0x0] =	wrdreg $0x0  }
0x20: {  	s5 =	sshll.u32 s28, $0x1;
	[dreg:$0x2] =	wrdreg s3  }
0x21: {  	[dreg:$0x3] =	wrdreg s5  }
0x22: {  	[dreg:$0x4] =	wrdreg $0xC0  }
0x23: {  	_ =	task [dreg:s7], $0x5FFFF  }
0x24: {  	[dreg:$0x1] =	wrdreg $0xFFFFFFFF  }
0x25: {  	[dreg:$0x0] =	wrdreg $0x60  }
0x26: {  	[dreg:$0x2] =	wrdreg s25  }
0x27: {  	[dreg:$0x3] =	wrdreg s2  }
0x28: {  	[dreg:$0x4] =	wrdreg $0x9  }
0x29: {  	_ =	task.clear_ibuf [dreg:s7], $0x5FFFF;
	_ =	strace $0x90000049  }
0x2a: {  	s29 =	simm.s32 $0x9;
	_ =	strace $0x8000004B  }
0x2b: {  	_ =	swait.ge [sflag:s29], $0x1  }
0x2c: {  	[sflag:s29] =	ssyncadd.s32 $0xFFFFFFFF  }
0x2d: {  	_ =	strace $0x9000004B  }
0x2e: {  	_ =	sfence  }
0x2f: {  	s30 =	sld [smem:$0x0];
	_ =	sdelay $0x2  }
0x30: {  	s31 =	sshll.u32 s1, $0xD;
	s1 =	sshrl.u32 s1, $0x2  }
0x31: {  	s3 =	sand.u32 $0x4000, s31;
	s1 =	sadd.s32 s1, s30  }
0x32: {  	s0 =	sor.u32 s3, s0;
	s1 =	sshll.u32 s1, $0x11  }
0x33: {  	s0 =	sor.u32 s1, s0  }
0x34: {  	s0 =	sadd.s32 $0x8F2B, s0  }
0x35: {  	[sflag:s0] =	ssyncadd.remote.s32 $0x1  }
0x36: {  	_ =	sfence.sel $0xFFFF  }
0x37: {  	[dreg:$0x0] =	wrdreg $0xFFFFFFFF;
	(pc) =	sbr.abs _section_cstart, $3  }
0x38: {  	[dreg:$0x1] =	wrdreg $0xFFFFFFFF  }
0x39: {  	_ =	task.clear_ibuf [dreg:s7], $0x2FFFF;
	_ =	strace $0x9FFFFFFF  }
0x3a: {  	(tm) =	ssettm $0x7FFFFFFF  }
0x3b: {  	_ =	shalt  }
tec
execute0_lowered:
.L_overlay_start_1:
0x0: {  	(tag) =	ssettag $0x1  }
0x1: {  	s0 =	srdreg.scid  }
0x2: {  	s1 =	sshll.u32 s0, $0x4  }
0x3: {  	s0 =	stileid.u32;
	s1 =	sand.u32 $0x10, s1  }
0x4: {  	s1 =	sor.u32 s0, s1  }
0x5: {  	s6 =	rddreg [dreg:$0x0];
	s4 =	simm.s32 $0x1;
	s2 =	sshll.u32 s1, $0x7  }
0x6: {  	s7 =	simm.s32 $0x2;
	s12 =	simm.s32 $0x0;
	s1 =	ssub.s32 $0x1000, s2  }
0x7: {  	s8 =	simm.s32 $0x8000;
	s13 =	simm.s32 $0x0;
	s3 =	sand.u32 $0xF80, s1  }
0x8: {  	s9 =	simm.s32 $0x0;
	s5 =	sshrl.u32 s1, $0xC;
	p0 =	sne.s32 s3, $0x0  }
.Ltmp0:
0x9: {  	s1 =	rddreg [dreg:$0x2];
	s4 =	simm.s32 @!p0 $0x0;
	(pc) =	sbr.rel .LBB1_1-.Ltmp0, $4  }
0xa: {  	s11 =	simm.s32 $0x0;
	s3 =	rddreg [dreg:$0x1];
	s5 =	sadd.s32 s4, s5  }
0xb: {  	_ =	strace $0x8000004A;
	s4 =	simm.s32 $0x1;
	s5 =	smul.u32 $0xC8, s5  }
0xc: {  	s6 =	sadd.s32 $0xA00, s6;
	s10 =	smov.u32 s2;
	[sflag:s4] =	ssyncpa.u1 $0x0  }
0xd: {  	p0 =	por $0x0, $0x0;
	[sflag:s7] =	ssyncpa.u1 $0x0;
	s7 =	sor.u32 $0x1, s5  }
.LBB1_4:
0xe: {  	s16 =	sshll.u32 s13, $0x3;
	s17 =	sand.u32 $0x78, s13  }
0xf: {  	s30 =	sand.u32 $0x7E00, s13;
	s12 =	sshll.u32 s12, $0xF;
	s16 =	sand.u32 $0xC00, s16  }
0x10: {  	[tilespmem:s15+$0x810 ss:$0x81] =	vst.msk $0xffff, v2;
	s31 =	sand.u32 $0x7, s13;
	s16 =	sor.u32 s17, s16;
	s17 =	sadd.s32 s3, s30  }
0x11: {  	[tilespmem:s15+$0x1020 ss:$0x81] =	vst.msk $0xffff, v0;
	s13 =	sshll.u32 s31, $0x12;
	s12 =	sadd.s32 s12, s17;
	s16 =	sshrl.u32 s16, $0x3  }
0x12: {  	[tilespmem:s15+$0x0 ss:$0x81] =	vst.msk $0xffff, v1;
	s13 =	sor.u32 $0x400, s13;
	s12 =	sadd.s32 s16, s12  }
0x13: {  	[hbm4b:s12+s13] =	stream.strided.scatter [tilespmem:s14], [sflag:$0x2], $0x2000, s8, s13, $0x20;
	[tilespmem:$0x8080] =	vst v63  }
.LBB1_5:
0x14: {  	s14 =	sadd.s32 $0x1, s9  }
0x15: {  	s12 =	sadd.s32 $0x1000, s10;
	s16 =	smov.u32 s10;
	p2 =	sgt.s32 s14, $0xC7  }
0x16: {  	s16 =	smov.u32 @p2 s12  }
0x17: {  	s14 =	simm.s32 @p2 $0x0;
	p2 =	sgt.s32 s16, $0xFFF  }
0x18: {  	s16 =	smov.u32 @p2 s2;
	p2 =	sne.s32 s11, s7  }
.Ltmp1:
0x19: {  	p1 =	slt.u32 s11, $0x2;
	(pc) =	sbr.rel @!p2 .LBB1_6-.Ltmp1, $4  }
0x1a: {  	s15 =	simm.s32 @!p1 $0x2  }
0x1b: {  	s13 =	smov.u32 s10;
	p0 =	por !p0, !p0;
	_ =	swait.ge @!p1 [sflag:s15], $0x2000  }
0x1c: {  	s12 =	smov.u32 s9;
	[sflag:s15] =	ssyncset.done @!p1 $0x0;
	s9 =	smov.u32 s14  }
0x1d: {  	s11 =	sadd.s32 $0x1, s11;
	[sflag:s15] =	ssyncadd.s32 @!p1 $0xFFFFE000;
	s10 =	smov.u32 s16  }
.LBB1_1:
0x1e: {  	p1 =	sge.u32 s11, s5  }
0x1f: {  	s14 =	sand.u32 @!p1 $0x1FFFFFF, s9  }
0x20: {  	s15 =	smulhi.u32 @!p1 $0x147AE15, s14;
	_ =	sdelay $0x1  }
0x21: {  	s15 =	smul.u32 @!p1 $0xC8, s15  }
0x22: {  	s16 =	sxor.u32 @!p1 $0xFFFFFFFF, s11;
	s17 =	smul.u32 @!p1 $0xC80, s10  }
0x23: {  	s31 =	sadd.s32 $0xFFFFFFFF, s11;
	s16 =	sshll.u32 @!p1 s16, $0xD;
	s14 =	ssub.s32 @!p1 s14, s15  }
0x24: {  	s15 =	sand.u32 @!p1 $0x2000, s16;
	s16 =	sadd.s32 @!p1 s6, s17;
	s14 =	sshll.u32 @!p1 s14, $0x4  }
0x25: {  	s17 =	simm.s32 @!p1 $0x6400;
	s14 =	sadd.s32 @!p1 s14, s16;
	s16 =	simm.s32 @!p1 $0x40  }
0x26: {  	[tilespmem:s15], [sflag:$0x1] =	stream.strided.gather @!p1 [hbm4b:s14+s16], $0x2000, s17, s16, $0x38;
	[tilespmem:$0x8080] =	vst v63  }
0x27: {  	p1 =	sge.u32 s31, s5  }
.Ltmp2:
0x28: {  	_ = 	snop;
	(pc) =	sbr.rel @p1 .LBB1_5-.Ltmp2, $1  }
0x29: {  	_ =	sdelay $0x3  }
0x2a: {  	s14 =	simm.s32 $0x1  }
0x2b: {  	_ =	swait.ge [sflag:s4], $0x2000;
	s14 =	simm.s32 @!p0 $0x0  }
0x2c: {  	[sflag:s4] =	ssyncset.done $0x0;
	s15 =	sshll.u32 s14, $0xD  }
0x2d: {  	[sflag:s4] =	ssyncadd.s32 $0xFFFFE000;
	s18 =	sor.u32 $0x20, s15  }
0x2e: {  	s14 =	smul.u32 $0x8100, s14;
	v3 =	vld [tilespmem:s18+$0x10]  }
0x2f: {  	s30 =	sand.u32 $0x1, s11;
	v2 =	vld [tilespmem:s18+$0xFFFFFFF0]  }
0x30: {  	s15 =	smul.u32 $0x8100, s30;
	s14 =	sshrl.u32 s14, $0x2;
	v0 =	vld [tilespmem:s18+$0x0]  }
0x31: {  	v1 =	vld [tilespmem:s18+$0xFFFFFFE0];
	s16 =	sor.u32 $0x4000, s14  }
0x32: {  	s31 =	sshrl.u32 s15, $0x2;
	s15 =	sadd.s32 $0x0, s16  }
0x33: {  	s17 =	simm.s32 $0x4;
	s18 =	sadd.s32 $0x40, s18;
	s14 =	sor.u32 $0x4000, s31;
	[tilespmem:s15+$0x1830 ss:$0x81] =	vst.msk $0xffff, v3  }
.LBB1_3:
0x34: {  	v3 =	vld [tilespmem:s18+$0x10];
	p1 =	sne.s32 s17, $0x1FC;
	[tilespmem:s15+$0x810 ss:$0x81] =	vst.msk $0xffff, v2;
	s19 =	smov.u32 s17;
	s17 =	sadd.s32 $0x4, s17  }
.Ltmp3:
0x35: {  	v2 =	vld [tilespmem:s18+$0xFFFFFFF0];
	[tilespmem:s15+$0x1020 ss:$0x81] =	vst.msk $0xffff, v0;
	(pc) =	sbr.rel @p1 .LBB1_3-.Ltmp3, $4  }
0x36: {  	v0 =	vld [tilespmem:s18+$0x0];
	[tilespmem:s15+$0x0 ss:$0x81] =	vst.msk $0xffff, v1  }
0x37: {  	s15 =	sshra.s32 s19, $0x2;
	v1 =	vld [tilespmem:s18+$0xFFFFFFE0]  }
0x38: {  	s15 =	sadd.s32 s15, s16  }
0x39: {  	s18 =	sadd.s32 $0x40, s18;
	[tilespmem:s15+$0x1830 ss:$0x81] =	vst.msk $0xffff, v3  }
.Ltmp4:
0x3a: {  	_ = 	snop;
	(pc) =	sbr.rel .LBB1_4-.Ltmp4, $1  }
0x3b: {  	_ =	sdelay $0x3  }
.LBB1_6:
0x3c: {  	_ =	sfence.sel $0x180000  }
0x3d: {  	s2 =	simm.s32 $0x1;
	[bflag:$0x0] =	sbarrier.arrive $0xFFFF  }
0x3e: {  	s31 =	simm.s32 $0x2;
	[sflag:s2] =	ssyncpa.u1 $0x1  }
0x3f: {  	[sflag:s31] =	ssyncpa.u1 $0x1  }
0x40: {  	p0 =	sne.s32 s0, $0x0;
	_ =	strace $0x9000004A  }
0x41: {  	s0 =	sadd.s32 @!p0 $0x100000, s1;
	[bflag:$0x2] =	sbarrier.arrive $0xFFFF  }
0x42: {  	[sflag:s0] =	ssyncadd.tile.s32 @!p0 $0x1;
	_ =	shalt  }
.Lfunc_end1:
_tile_overlayer_lowered:
.L_overlay_start_2:
0x43: {  	(tag) =	ssettag $0x2  }
0x44: {  	s0 =	rddreg [dreg:$0x0];
	s2 =	stileid.u32  }
0x45: {  	s1 =	rddreg [dreg:$0x1];
	p0 =	sne.s32 s2, $0x0  }
0x46: {  	s3 =	rddreg [dreg:$0x2];
	[bflag:$0x3] =	sbarrier.arrive $0xFFFF;
	s2 =	simm.s32 @!p0 $0x1C01  }
0x47: {  	[timem:s3], [sflag:s2] =	dma.local @!p0 [hbm:s0], s1  }
0x48: {  	s0 =	simm.s32 @!p0 $0x1  }
0x49: {  	_ =	swait.ge @!p0 [sflag:s0], s1  }
0x4a: {  	s1 =	ssub.s32 @!p0 $0x0, s1;
	[sflag:s0] =	ssyncset.done @!p0 $0x0  }
0x4b: {  	[sflag:s0] =	ssyncadd.s32 @!p0 s1  }
0x4c: {  	[bflag:$0x3] =	sbarrier.arrive $0xFFFF  }
0x4d: {  	_ =	shalt  }

</sc_bundles>
